<compile_context>
chip_gen: v7x
topology: tpu7x:2x2x1
jax: 0.10.2.dev20260603
libtpu: 0.0.44.dev20260713+nightly
codegen_flags: <defaults>
</compile_context>

<pallas_src>
import functools

import jax
import jax.numpy as jnp
from jax import lax
from jax.experimental import pallas as pl
from jax.experimental.pallas import tpu as pltpu
from jax.experimental.pallas import tpu_sc as plsc

VOCAB = 168960
HIDDEN = 4096
N_TOK = 4 * 8192

NC = 2
NS = 16
NW = NC * NS
B_PER_W = N_TOK // NW
CHUNK = 8
N_CHUNKS = B_PER_W // CHUNK

_mesh = plsc.VectorSubcoreMesh(core_axis_name="c", subcore_axis_name="s")


NBUF = 3
TAIL = N_CHUNKS % NBUF
MAIN = N_CHUNKS - TAIL


@functools.partial(
    pl.kernel,
    mesh=_mesh,
    out_type=jax.ShapeDtypeStruct((N_TOK, HIDDEN), jnp.float32),
    scratch_types=[
        pltpu.VMEM((B_PER_W,), jnp.int32),
        pltpu.VMEM((NBUF, CHUNK, HIDDEN), jnp.float32),
        pltpu.SemaphoreType.DMA((NBUF,)),
        pltpu.SemaphoreType.DMA((NBUF,)),
    ],
)
def _embed_sc(ids_hbm, tab_hbm, out_hbm, idx_v, rows_v, sem_g, sem_s):
    wid = lax.axis_index("s") * NC + lax.axis_index("c")
    base = wid * B_PER_W
    pltpu.sync_copy(ids_hbm.at[pl.ds(base, B_PER_W)], idx_v)

    def gather(g, b):
        return pltpu.make_async_copy(
            tab_hbm.at[idx_v.at[pl.ds(g * CHUNK, CHUNK)]],
            rows_v.at[b],
            sem_g.at[b],
        )

    def scatter(g, b):
        return pltpu.make_async_copy(
            rows_v.at[b],
            out_hbm.at[pl.ds(base + g * CHUNK, CHUNK)],
            sem_s.at[b],
        )

    for b in range(NBUF):
        gather(b, b).start()

    def step(g0, carry):
        for b in range(NBUF):
            g = g0 * NBUF + b
            gather(g, b).wait()
            scatter(g, b).start()
            nxt = g + NBUF

            @pl.when(nxt < N_CHUNKS)
            def _():
                scatter(g, b).wait()
                gather(nxt, b).start()

        return carry

    lax.fori_loop(0, MAIN // NBUF, step, 0)

    for b in range(TAIL):
        g = MAIN + b
        gather(g, b).wait()
        scatter(g, b).start()

    for g in range(N_CHUNKS - NBUF, N_CHUNKS):
        scatter(g, g % NBUF).wait()


def kernel(input_ids, word_embeddings):
    ids = input_ids.reshape(-1).astype(jnp.int32)
    out = _embed_sc(ids, word_embeddings)
    return out.reshape(input_ids.shape + (word_embeddings.shape[1],))

# --- scband reference (transcript-rebuilt; emitter-appended) ---
"""Pipeline reference for scband-glmvoice-embedding-20830591386085 (READ-ONLY COPY).

The authoritative reference and input builder live on the scoring server;
editing this copy changes nothing except your own understanding.
"""

import jax, jax.numpy as jnp
import numpy as np

PADDED_VOCAB_SIZE = 168960
HIDDEN_SIZE = 4096
BATCH = 4
SEQ_LEN = 8192


def setup_inputs(seed: int = 0) -> dict:
    key = jax.random.key(seed)
    k_ids, k_tab = jax.random.split(key)
    input_ids = jax.random.randint(k_ids, (BATCH, SEQ_LEN), 0, PADDED_VOCAB_SIZE, dtype=jnp.int64 if jax.config.jax_enable_x64 else jnp.int32).astype(jnp.int32)
    # Learned parameter: embedding table (nn.Embedding weight), default init ~ N(0, 1)
    word_embeddings = jax.random.normal(k_tab, (PADDED_VOCAB_SIZE, HIDDEN_SIZE), dtype=jnp.float32)
    return {"input_ids": input_ids, "word_embeddings": word_embeddings}


def reference(input_ids, word_embeddings):
    # GLMVoiceEmbedding.forward: self.word_embeddings(input_ids)
    # nn.Embedding -> row gather from the table
    return jnp.take(word_embeddings, input_ids, axis=0)

if __name__ == "__main__":
    import jax
    _d = setup_inputs()
    print(jax.jit(kernel)(*tuple(_d.values())))

</pallas_src>

<mosaic_0001>
#map = affine_map<(d0, d1) -> (0)>
#map1 = affine_map<(d0, d1) -> (0, 0)>
module attributes {stable_mosaic.version = 14 : i64} {
  func.func @_embed_sc(%arg0: i32, %arg1: i32, %arg2: memref<32768xi32, #tpu.memory_space<hbm>>, %arg3: memref<168960x4096xf32, #tpu.memory_space<hbm>>, %arg4: memref<32768x4096xf32, #tpu.memory_space<hbm>>, %arg5: memref<1024xi32, #tpu.memory_space<vmem>>, %arg6: memref<3x8x4096xf32, #tpu.memory_space<vmem>>, %arg7: memref<3x!tpu.dma_semaphore, #tpu.memory_space<semaphore_mem>>, %arg8: memref<3x!tpu.dma_semaphore, #tpu.memory_space<semaphore_mem>>) attributes {dimension_semantics = [#tpu.dimension_semantics<core_parallel>, #tpu.dimension_semantics<subcore_parallel>], iteration_bounds = array<i64: 2, 16>, scalar_prefetch = 0 : i64, scratch_operands = 4 : i64, tpu.core_type = #tpu.core_type<sc_vector_subcore>, window_params = [{transform_indices = #map}, {transform_indices = #map1}, {transform_indices = #map1}]} {
    %mul3A = arith.constant 2 : i32
    %mul3A_0 = arith.muli %arg1, %mul3A : i32
    %add3A = arith.addi %mul3A_0, %arg0 : i32
    %mul3A_1 = arith.constant 1024 : i32
    %mul3A_2 = arith.muli %add3A, %mul3A_1 : i32
    "tpu.region"() ({
      %run_scoped3A = tpu.sem_alloc : memref<!tpu.dma_semaphore, #tpu.memory_space<semaphore_mem>>
      %dma_start3A_161 = tpu.memref_slice %arg2[%mul3A_2] : memref<32768xi32, #tpu.memory_space<hbm>> -> memref<1024xi32, #tpu.memory_space<hbm>>
      %dma_start3A_162 = tpu.memref_slice %arg2[%mul3A_2] : memref<32768xi32, #tpu.memory_space<hbm>> -> memref<1024xi32, #tpu.memory_space<hbm>>
      tpu.enqueue_dma source(%dma_start3A_162 : memref<1024xi32, #tpu.memory_space<hbm>>) target(%arg5 : memref<1024xi32, #tpu.memory_space<vmem>>) target_semaphore(%run_scoped3A : memref<!tpu.dma_semaphore, #tpu.memory_space<semaphore_mem>>)
      %dma_wait3A_163 = tpu.memref_slice %arg2[%mul3A_2] : memref<32768xi32, #tpu.memory_space<hbm>> -> memref<1024xi32, #tpu.memory_space<hbm>>
      %dma_wait3A_164 = tpu.memref_slice %arg2[%mul3A_2] : memref<32768xi32, #tpu.memory_space<hbm>> -> memref<1024xi32, #tpu.memory_space<hbm>>
      tpu.wait_dma2 semaphore(%run_scoped3A : memref<!tpu.dma_semaphore, #tpu.memory_space<semaphore_mem>>) src(%dma_wait3A_164 : memref<1024xi32, #tpu.memory_space<hbm>>) dst(%arg5 : memref<1024xi32, #tpu.memory_space<vmem>>)
      tpu.yield
    }) : () -> ()
    %dma_start3A = arith.constant 0 : i32
    %dma_start3A_3 = arith.constant 0 : i32
    %dma_start3A_4 = arith.constant 0 : i32
    %dma_start3A_5 = arith.constant 0 : i32
    %dma_start3A_6 = tpu.memref_slice %arg6[%dma_start3A, %dma_start3A_4, %dma_start3A_5] : memref<3x8x4096xf32, #tpu.memory_space<vmem>> -> memref<1x8x4096xf32, #tpu.memory_space<vmem>>
    %dma_start3A_7 = tpu.memref_squeeze %dma_start3A_6 : memref<1x8x4096xf32, #tpu.memory_space<vmem>> -> memref<8x4096xf32, #tpu.memory_space<vmem>>
    %dma_start3A_8 = arith.constant 0 : i32
    %dma_start3A_9 = tpu.memref_slice %arg5[%dma_start3A_8] : memref<1024xi32, #tpu.memory_space<vmem>> -> memref<8xi32, #tpu.memory_space<vmem>>
    %dma_start3A_10 = arith.constant 0 : i32
    %dma_start3A_11 = arith.constant 0 : i32
    %dma_start3A_12 = tpu.memref_slice %arg3[%dma_start3A_10, %dma_start3A_11] : memref<168960x4096xf32, #tpu.memory_space<hbm>> -> memref<168960x4096xf32, #tpu.memory_space<hbm>>
    %dma_start3A_13 = tpu.memref_slice %arg7[%dma_start3A_3] : memref<3x!tpu.dma_semaphore, #tpu.memory_space<semaphore_mem>> -> memref<1x!tpu.dma_semaphore, #tpu.memory_space<semaphore_mem>>
    %dma_start3A_14 = tpu.memref_squeeze %dma_start3A_13 : memref<1x!tpu.dma_semaphore, #tpu.memory_space<semaphore_mem>> -> memref<!tpu.dma_semaphore, #tpu.memory_space<semaphore_mem>>
    tpu.enqueue_indirect_dma source(%dma_start3A_12 : memref<168960x4096xf32, #tpu.memory_space<hbm>>) target(%dma_start3A_7 : memref<8x4096xf32, #tpu.memory_space<vmem>>) offsets(%dma_start3A_9 : memref<8xi32, #tpu.memory_space<vmem>>) semaphore(%dma_start3A_14 : memref<!tpu.dma_semaphore, #tpu.memory_space<semaphore_mem>>)
    %dma_start3A_15 = arith.constant 1 : i32
    %dma_start3A_16 = arith.constant 1 : i32
    %dma_start3A_17 = arith.constant 0 : i32
    %dma_start3A_18 = arith.constant 0 : i32
    %dma_start3A_19 = tpu.memref_slice %arg6[%dma_start3A_15, %dma_start3A_17, %dma_start3A_18] : memref<3x8x4096xf32, #tpu.memory_space<vmem>> -> memref<1x8x4096xf32, #tpu.memory_space<vmem>>
    %dma_start3A_20 = tpu.memref_squeeze %dma_start3A_19 : memref<1x8x4096xf32, #tpu.memory_space<vmem>> -> memref<8x4096xf32, #tpu.memory_space<vmem>>
    %dma_start3A_21 = arith.constant 8 : i32
    %dma_start3A_22 = tpu.memref_slice %arg5[%dma_start3A_21] : memref<1024xi32, #tpu.memory_space<vmem>> -> memref<8xi32, #tpu.memory_space<vmem>>
    %dma_start3A_23 = arith.constant 0 : i32
    %dma_start3A_24 = arith.constant 0 : i32
    %dma_start3A_25 = tpu.memref_slice %arg3[%dma_start3A_23, %dma_start3A_24] : memref<168960x4096xf32, #tpu.memory_space<hbm>> -> memref<168960x4096xf32, #tpu.memory_space<hbm>>
    %dma_start3A_26 = tpu.memref_slice %arg7[%dma_start3A_16] : memref<3x!tpu.dma_semaphore, #tpu.memory_space<semaphore_mem>> -> memref<1x!tpu.dma_semaphore, #tpu.memory_space<semaphore_mem>>
    %dma_start3A_27 = tpu.memref_squeeze %dma_start3A_26 : memref<1x!tpu.dma_semaphore, #tpu.memory_space<semaphore_mem>> -> memref<!tpu.dma_semaphore, #tpu.memory_space<semaphore_mem>>
    tpu.enqueue_indirect_dma source(%dma_start3A_25 : memref<168960x4096xf32, #tpu.memory_space<hbm>>) target(%dma_start3A_20 : memref<8x4096xf32, #tpu.memory_space<vmem>>) offsets(%dma_start3A_22 : memref<8xi32, #tpu.memory_space<vmem>>) semaphore(%dma_start3A_27 : memref<!tpu.dma_semaphore, #tpu.memory_space<semaphore_mem>>)
    %dma_start3A_28 = arith.constant 2 : i32
    %dma_start3A_29 = arith.constant 2 : i32
    %dma_start3A_30 = arith.constant 0 : i32
    %dma_start3A_31 = arith.constant 0 : i32
    %dma_start3A_32 = tpu.memref_slice %arg6[%dma_start3A_28, %dma_start3A_30, %dma_start3A_31] : memref<3x8x4096xf32, #tpu.memory_space<vmem>> -> memref<1x8x4096xf32, #tpu.memory_space<vmem>>
    %dma_start3A_33 = tpu.memref_squeeze %dma_start3A_32 : memref<1x8x4096xf32, #tpu.memory_space<vmem>> -> memref<8x4096xf32, #tpu.memory_space<vmem>>
    %dma_start3A_34 = arith.constant 16 : i32
    %dma_start3A_35 = tpu.memref_slice %arg5[%dma_start3A_34] : memref<1024xi32, #tpu.memory_space<vmem>> -> memref<8xi32, #tpu.memory_space<vmem>>
    %dma_start3A_36 = arith.constant 0 : i32
    %dma_start3A_37 = arith.constant 0 : i32
    %dma_start3A_38 = tpu.memref_slice %arg3[%dma_start3A_36, %dma_start3A_37] : memref<168960x4096xf32, #tpu.memory_space<hbm>> -> memref<168960x4096xf32, #tpu.memory_space<hbm>>
    %dma_start3A_39 = tpu.memref_slice %arg7[%dma_start3A_29] : memref<3x!tpu.dma_semaphore, #tpu.memory_space<semaphore_mem>> -> memref<1x!tpu.dma_semaphore, #tpu.memory_space<semaphore_mem>>
    %dma_start3A_40 = tpu.memref_squeeze %dma_start3A_39 : memref<1x!tpu.dma_semaphore, #tpu.memory_space<semaphore_mem>> -> memref<!tpu.dma_semaphore, #tpu.memory_space<semaphore_mem>>
    tpu.enqueue_indirect_dma source(%dma_start3A_38 : memref<168960x4096xf32, #tpu.memory_space<hbm>>) target(%dma_start3A_33 : memref<8x4096xf32, #tpu.memory_space<vmem>>) offsets(%dma_start3A_35 : memref<8xi32, #tpu.memory_space<vmem>>) semaphore(%dma_start3A_40 : memref<!tpu.dma_semaphore, #tpu.memory_space<semaphore_mem>>)
    %scan3A = arith.constant 0 : i32
    %scan3A_41 = arith.constant 0 : i32
    %scan3A_42 = arith.constant 42 : i32
    %scan3A_43 = arith.addi %scan3A_41, %scan3A_42 : i32
    %scan3A_44 = arith.constant 1 : i32
    scf.for %scan3A_161 = %scan3A_41 to %scan3A_43 step %scan3A_44  : i32 {
      %mul3A_162 = arith.constant 3 : i32
      %mul3A_163 = arith.muli %scan3A_161, %mul3A_162 : i32
      %add3A_164 = arith.constant 0 : i32
      %add3A_165 = arith.addi %mul3A_163, %add3A_164 : i32
      %mul3A_166 = arith.constant 8 : i32
      %mul3A_167 = arith.muli %add3A_165, %mul3A_166 : i32
      %dma_wait3A_168 = arith.constant 0 : i32
      %dma_wait3A_169 = arith.constant 0 : i32
      %dma_wait3A_170 = arith.constant 0 : i32
      %dma_wait3A_171 = arith.constant 0 : i32
      %dma_wait3A_172 = tpu.memref_slice %arg6[%dma_wait3A_168, %dma_wait3A_170, %dma_wait3A_171] : memref<3x8x4096xf32, #tpu.memory_space<vmem>> -> memref<1x8x4096xf32, #tpu.memory_space<vmem>>
      %dma_wait3A_173 = tpu.memref_squeeze %dma_wait3A_172 : memref<1x8x4096xf32, #tpu.memory_space<vmem>> -> memref<8x4096xf32, #tpu.memory_space<vmem>>
      %dma_wait3A_174 = tpu.memref_slice %arg5[%mul3A_167] : memref<1024xi32, #tpu.memory_space<vmem>> -> memref<8xi32, #tpu.memory_space<vmem>>
      %dma_wait3A_175 = arith.constant 0 : i32
      %dma_wait3A_176 = arith.constant 0 : i32
      %dma_wait3A_177 = tpu.memref_slice %arg3[%dma_wait3A_175, %dma_wait3A_176] : memref<168960x4096xf32, #tpu.memory_space<hbm>> -> memref<168960x4096xf32, #tpu.memory_space<hbm>>
      %dma_wait3A_178 = tpu.memref_slice %arg7[%dma_wait3A_169] : memref<3x!tpu.dma_semaphore, #tpu.memory_space<semaphore_mem>> -> memref<1x!tpu.dma_semaphore, #tpu.memory_space<semaphore_mem>>
      %dma_wait3A_179 = tpu.memref_squeeze %dma_wait3A_178 : memref<1x!tpu.dma_semaphore, #tpu.memory_space<semaphore_mem>> -> memref<!tpu.dma_semaphore, #tpu.memory_space<semaphore_mem>>
      tpu.wait_indirect_dma semaphore(%dma_wait3A_179 : memref<!tpu.dma_semaphore, #tpu.memory_space<semaphore_mem>>) src(%dma_wait3A_177 : memref<168960x4096xf32, #tpu.memory_space<hbm>>) dst(%dma_wait3A_173 : memref<8x4096xf32, #tpu.memory_space<vmem>>)
      %mul3A_180 = arith.constant 8 : i32
      %mul3A_181 = arith.muli %add3A_165, %mul3A_180 : i32
      %add3A_182 = arith.addi %mul3A_2, %mul3A_181 : i32
      %dma_start3A_183 = arith.constant 0 : i32
      %dma_start3A_184 = arith.constant 0 : i32
      %dma_start3A_185 = arith.constant 0 : i32
      %dma_start3A_186 = arith.constant 0 : i32
      %dma_start3A_187 = tpu.memref_slice %arg6[%dma_start3A_183, %dma_start3A_185, %dma_start3A_186] : memref<3x8x4096xf32, #tpu.memory_space<vmem>> -> memref<1x8x4096xf32, #tpu.memory_space<vmem>>
      %dma_start3A_188 = tpu.memref_squeeze %dma_start3A_187 : memref<1x8x4096xf32, #tpu.memory_space<vmem>> -> memref<8x4096xf32, #tpu.memory_space<vmem>>
      %dma_start3A_189 = arith.constant 0 : i32
      %dma_start3A_190 = tpu.memref_slice %arg4[%add3A_182, %dma_start3A_189] : memref<32768x4096xf32, #tpu.memory_space<hbm>> -> memref<8x4096xf32, #tpu.memory_space<hbm>>
      %dma_start3A_191 = tpu.memref_slice %arg8[%dma_start3A_184] : memref<3x!tpu.dma_semaphore, #tpu.memory_space<semaphore_mem>> -> memref<1x!tpu.dma_semaphore, #tpu.memory_space<semaphore_mem>>
      %dma_start3A_192 = tpu.memref_squeeze %dma_start3A_191 : memref<1x!tpu.dma_semaphore, #tpu.memory_space<semaphore_mem>> -> memref<!tpu.dma_semaphore, #tpu.memory_space<semaphore_mem>>
      %dma_start3A_193 = arith.constant 0 : i32
      %dma_start3A_194 = tpu.memref_slice %arg4[%add3A_182, %dma_start3A_193] : memref<32768x4096xf32, #tpu.memory_space<hbm>> -> memref<8x4096xf32, #tpu.memory_space<hbm>>
      %dma_start3A_195 = arith.constant 0 : i32
      %dma_start3A_196 = arith.constant 0 : i32
      %dma_start3A_197 = tpu.memref_slice %arg6[%dma_start3A_183, %dma_start3A_195, %dma_start3A_196] : memref<3x8x4096xf32, #tpu.memory_space<vmem>> -> memref<1x8x4096xf32, #tpu.memory_space<vmem>>
      %dma_start3A_198 = tpu.memref_squeeze %dma_start3A_197 : memref<1x8x4096xf32, #tpu.memory_space<vmem>> -> memref<8x4096xf32, #tpu.memory_space<vmem>>
      tpu.enqueue_dma source(%dma_start3A_198 : memref<8x4096xf32, #tpu.memory_space<vmem>>) target(%dma_start3A_194 : memref<8x4096xf32, #tpu.memory_space<hbm>>) target_semaphore(%dma_start3A_192 : memref<!tpu.dma_semaphore, #tpu.memory_space<semaphore_mem>>)
      %add3A_199 = arith.constant 3 : i32
      %add3A_200 = arith.addi %add3A_165, %add3A_199 : i32
      %lt3A = arith.constant 128 : i32
      %lt3A_201 = arith.cmpi slt, %add3A_200, %lt3A : i32
      %convert_element_type3A = arith.extui %lt3A_201 : i1 to i32
      %cond3A = arith.constant 0 : i32
      %cond3A_202 = arith.cmpi ne, %convert_element_type3A, %cond3A : i32
      scf.if %cond3A_202 {
        %mul3A_291 = arith.constant 8 : i32
        %mul3A_292 = arith.muli %add3A_165, %mul3A_291 : i32
        %add3A_293 = arith.addi %mul3A_2, %mul3A_292 : i32
        %dma_wait3A_294 = arith.constant 0 : i32
        %dma_wait3A_295 = arith.constant 0 : i32
        %dma_wait3A_296 = arith.constant 0 : i32
        %dma_wait3A_297 = arith.constant 0 : i32
        %dma_wait3A_298 = tpu.memref_slice %arg6[%dma_wait3A_294, %dma_wait3A_296, %dma_wait3A_297] : memref<3x8x4096xf32, #tpu.memory_space<vmem>> -> memref<1x8x4096xf32, #tpu.memory_space<vmem>>
        %dma_wait3A_299 = tpu.memref_squeeze %dma_wait3A_298 : memref<1x8x4096xf32, #tpu.memory_space<vmem>> -> memref<8x4096xf32, #tpu.memory_space<vmem>>
        %dma_wait3A_300 = arith.constant 0 : i32
        %dma_wait3A_301 = tpu.memref_slice %arg4[%add3A_293, %dma_wait3A_300] : memref<32768x4096xf32, #tpu.memory_space<hbm>> -> memref<8x4096xf32, #tpu.memory_space<hbm>>
        %dma_wait3A_302 = tpu.memref_slice %arg8[%dma_wait3A_295] : memref<3x!tpu.dma_semaphore, #tpu.memory_space<semaphore_mem>> -> memref<1x!tpu.dma_semaphore, #tpu.memory_space<semaphore_mem>>
        %dma_wait3A_303 = tpu.memref_squeeze %dma_wait3A_302 : memref<1x!tpu.dma_semaphore, #tpu.memory_space<semaphore_mem>> -> memref<!tpu.dma_semaphore, #tpu.memory_space<semaphore_mem>>
        %dma_wait3A_304 = arith.constant 0 : i32
        %dma_wait3A_305 = tpu.memref_slice %arg4[%add3A_293, %dma_wait3A_304] : memref<32768x4096xf32, #tpu.memory_space<hbm>> -> memref<8x4096xf32, #tpu.memory_space<hbm>>
        %dma_wait3A_306 = arith.constant 0 : i32
        %dma_wait3A_307 = arith.constant 0 : i32
        %dma_wait3A_308 = tpu.memref_slice %arg6[%dma_wait3A_294, %dma_wait3A_306, %dma_wait3A_307] : memref<3x8x4096xf32, #tpu.memory_space<vmem>> -> memref<1x8x4096xf32, #tpu.memory_space<vmem>>
        %dma_wait3A_309 = tpu.memref_squeeze %dma_wait3A_308 : memref<1x8x4096xf32, #tpu.memory_space<vmem>> -> memref<8x4096xf32, #tpu.memory_space<vmem>>
        tpu.wait_dma2 semaphore(%dma_wait3A_303 : memref<!tpu.dma_semaphore, #tpu.memory_space<semaphore_mem>>) src(%dma_wait3A_309 : memref<8x4096xf32, #tpu.memory_space<vmem>>) dst(%dma_wait3A_305 : memref<8x4096xf32, #tpu.memory_space<hbm>>)
        %mul3A_310 = arith.constant 8 : i32
        %mul3A_311 = arith.muli %add3A_200, %mul3A_310 : i32
        %dma_start3A_312 = arith.constant 0 : i32
        %dma_start3A_313 = arith.constant 0 : i32
        %dma_start3A_314 = arith.constant 0 : i32
        %dma_start3A_315 = arith.constant 0 : i32
        %dma_start3A_316 = tpu.memref_slice %arg6[%dma_start3A_312, %dma_start3A_314, %dma_start3A_315] : memref<3x8x4096xf32, #tpu.memory_space<vmem>> -> memref<1x8x4096xf32, #tpu.memory_space<vmem>>
        %dma_start3A_317 = tpu.memref_squeeze %dma_start3A_316 : memref<1x8x4096xf32, #tpu.memory_space<vmem>> -> memref<8x4096xf32, #tpu.memory_space<vmem>>
        %dma_start3A_318 = tpu.memref_slice %arg5[%mul3A_311] : memref<1024xi32, #tpu.memory_space<vmem>> -> memref<8xi32, #tpu.memory_space<vmem>>
        %dma_start3A_319 = arith.constant 0 : i32
        %dma_start3A_320 = arith.constant 0 : i32
        %dma_start3A_321 = tpu.memref_slice %arg3[%dma_start3A_319, %dma_start3A_320] : memref<168960x4096xf32, #tpu.memory_space<hbm>> -> memref<168960x4096xf32, #tpu.memory_space<hbm>>
        %dma_start3A_322 = tpu.memref_slice %arg7[%dma_start3A_313] : memref<3x!tpu.dma_semaphore, #tpu.memory_space<semaphore_mem>> -> memref<1x!tpu.dma_semaphore, #tpu.memory_space<semaphore_mem>>
        %dma_start3A_323 = tpu.memref_squeeze %dma_start3A_322 : memref<1x!tpu.dma_semaphore, #tpu.memory_space<semaphore_mem>> -> memref<!tpu.dma_semaphore, #tpu.memory_space<semaphore_mem>>
        tpu.enqueue_indirect_dma source(%dma_start3A_321 : memref<168960x4096xf32, #tpu.memory_space<hbm>>) target(%dma_start3A_317 : memref<8x4096xf32, #tpu.memory_space<vmem>>) offsets(%dma_start3A_318 : memref<8xi32, #tpu.memory_space<vmem>>) semaphore(%dma_start3A_323 : memref<!tpu.dma_semaphore, #tpu.memory_space<semaphore_mem>>)
      } else {
      }
      %mul3A_203 = arith.constant 3 : i32
      %mul3A_204 = arith.muli %scan3A_161, %mul3A_203 : i32
      %add3A_205 = arith.constant 1 : i32
      %add3A_206 = arith.addi %mul3A_204, %add3A_205 : i32
      %mul3A_207 = arith.constant 8 : i32
      %mul3A_208 = arith.muli %add3A_206, %mul3A_207 : i32
      %dma_wait3A_209 = arith.constant 1 : i32
      %dma_wait3A_210 = arith.constant 1 : i32
      %dma_wait3A_211 = arith.constant 0 : i32
      %dma_wait3A_212 = arith.constant 0 : i32
      %dma_wait3A_213 = tpu.memref_slice %arg6[%dma_wait3A_209, %dma_wait3A_211, %dma_wait3A_212] : memref<3x8x4096xf32, #tpu.memory_space<vmem>> -> memref<1x8x4096xf32, #tpu.memory_space<vmem>>
      %dma_wait3A_214 = tpu.memref_squeeze %dma_wait3A_213 : memref<1x8x4096xf32, #tpu.memory_space<vmem>> -> memref<8x4096xf32, #tpu.memory_space<vmem>>
      %dma_wait3A_215 = tpu.memref_slice %arg5[%mul3A_208] : memref<1024xi32, #tpu.memory_space<vmem>> -> memref<8xi32, #tpu.memory_space<vmem>>
      %dma_wait3A_216 = arith.constant 0 : i32
      %dma_wait3A_217 = arith.constant 0 : i32
      %dma_wait3A_218 = tpu.memref_slice %arg3[%dma_wait3A_216, %dma_wait3A_217] : memref<168960x4096xf32, #tpu.memory_space<hbm>> -> memref<168960x4096xf32, #tpu.memory_space<hbm>>
      %dma_wait3A_219 = tpu.memref_slice %arg7[%dma_wait3A_210] : memref<3x!tpu.dma_semaphore, #tpu.memory_space<semaphore_mem>> -> memref<1x!tpu.dma_semaphore, #tpu.memory_space<semaphore_mem>>
      %dma_wait3A_220 = tpu.memref_squeeze %dma_wait3A_219 : memref<1x!tpu.dma_semaphore, #tpu.memory_space<semaphore_mem>> -> memref<!tpu.dma_semaphore, #tpu.memory_space<semaphore_mem>>
      tpu.wait_indirect_dma semaphore(%dma_wait3A_220 : memref<!tpu.dma_semaphore, #tpu.memory_space<semaphore_mem>>) src(%dma_wait3A_218 : memref<168960x4096xf32, #tpu.memory_space<hbm>>) dst(%dma_wait3A_214 : memref<8x4096xf32, #tpu.memory_space<vmem>>)
      %mul3A_221 = arith.constant 8 : i32
      %mul3A_222 = arith.muli %add3A_206, %mul3A_221 : i32
      %add3A_223 = arith.addi %mul3A_2, %mul3A_222 : i32
      %dma_start3A_224 = arith.constant 1 : i32
      %dma_start3A_225 = arith.constant 1 : i32
      %dma_start3A_226 = arith.constant 0 : i32
      %dma_start3A_227 = arith.constant 0 : i32
      %dma_start3A_228 = tpu.memref_slice %arg6[%dma_start3A_224, %dma_start3A_226, %dma_start3A_227] : memref<3x8x4096xf32, #tpu.memory_space<vmem>> -> memref<1x8x4096xf32, #tpu.memory_space<vmem>>
      %dma_start3A_229 = tpu.memref_squeeze %dma_start3A_228 : memref<1x8x4096xf32, #tpu.memory_space<vmem>> -> memref<8x4096xf32, #tpu.memory_space<vmem>>
      %dma_start3A_230 = arith.constant 0 : i32
      %dma_start3A_231 = tpu.memref_slice %arg4[%add3A_223, %dma_start3A_230] : memref<32768x4096xf32, #tpu.memory_space<hbm>> -> memref<8x4096xf32, #tpu.memory_space<hbm>>
      %dma_start3A_232 = tpu.memref_slice %arg8[%dma_start3A_225] : memref<3x!tpu.dma_semaphore, #tpu.memory_space<semaphore_mem>> -> memref<1x!tpu.dma_semaphore, #tpu.memory_space<semaphore_mem>>
      %dma_start3A_233 = tpu.memref_squeeze %dma_start3A_232 : memref<1x!tpu.dma_semaphore, #tpu.memory_space<semaphore_mem>> -> memref<!tpu.dma_semaphore, #tpu.memory_space<semaphore_mem>>
      %dma_start3A_234 = arith.constant 0 : i32
      %dma_start3A_235 = tpu.memref_slice %arg4[%add3A_223, %dma_start3A_234] : memref<32768x4096xf32, #tpu.memory_space<hbm>> -> memref<8x4096xf32, #tpu.memory_space<hbm>>
      %dma_start3A_236 = arith.constant 0 : i32
      %dma_start3A_237 = arith.constant 0 : i32
      %dma_start3A_238 = tpu.memref_slice %arg6[%dma_start3A_224, %dma_start3A_236, %dma_start3A_237] : memref<3x8x4096xf32, #tpu.memory_space<vmem>> -> memref<1x8x4096xf32, #tpu.memory_space<vmem>>
      %dma_start3A_239 = tpu.memref_squeeze %dma_start3A_238 : memref<1x8x4096xf32, #tpu.memory_space<vmem>> -> memref<8x4096xf32, #tpu.memory_space<vmem>>
      tpu.enqueue_dma source(%dma_start3A_239 : memref<8x4096xf32, #tpu.memory_space<vmem>>) target(%dma_start3A_235 : memref<8x4096xf32, #tpu.memory_space<hbm>>) target_semaphore(%dma_start3A_233 : memref<!tpu.dma_semaphore, #tpu.memory_space<semaphore_mem>>)
      %add3A_240 = arith.constant 3 : i32
      %add3A_241 = arith.addi %add3A_206, %add3A_240 : i32
      %lt3A_242 = arith.constant 128 : i32
      %lt3A_243 = arith.cmpi slt, %add3A_241, %lt3A_242 : i32
      %convert_element_type3A_244 = arith.extui %lt3A_243 : i1 to i32
      %cond3A_245 = arith.constant 0 : i32
      %cond3A_246 = arith.cmpi ne, %convert_element_type3A_244, %cond3A_245 : i32
      scf.if %cond3A_246 {
        %mul3A_291 = arith.constant 8 : i32
        %mul3A_292 = arith.muli %add3A_206, %mul3A_291 : i32
        %add3A_293 = arith.addi %mul3A_2, %mul3A_292 : i32
        %dma_wait3A_294 = arith.constant 1 : i32
        %dma_wait3A_295 = arith.constant 1 : i32
        %dma_wait3A_296 = arith.constant 0 : i32
        %dma_wait3A_297 = arith.constant 0 : i32
        %dma_wait3A_298 = tpu.memref_slice %arg6[%dma_wait3A_294, %dma_wait3A_296, %dma_wait3A_297] : memref<3x8x4096xf32, #tpu.memory_space<vmem>> -> memref<1x8x4096xf32, #tpu.memory_space<vmem>>
        %dma_wait3A_299 = tpu.memref_squeeze %dma_wait3A_298 : memref<1x8x4096xf32, #tpu.memory_space<vmem>> -> memref<8x4096xf32, #tpu.memory_space<vmem>>
        %dma_wait3A_300 = arith.constant 0 : i32
        %dma_wait3A_301 = tpu.memref_slice %arg4[%add3A_293, %dma_wait3A_300] : memref<32768x4096xf32, #tpu.memory_space<hbm>> -> memref<8x4096xf32, #tpu.memory_space<hbm>>
        %dma_wait3A_302 = tpu.memref_slice %arg8[%dma_wait3A_295] : memref<3x!tpu.dma_semaphore, #tpu.memory_space<semaphore_mem>> -> memref<1x!tpu.dma_semaphore, #tpu.memory_space<semaphore_mem>>
        %dma_wait3A_303 = tpu.memref_squeeze %dma_wait3A_302 : memref<1x!tpu.dma_semaphore, #tpu.memory_space<semaphore_mem>> -> memref<!tpu.dma_semaphore, #tpu.memory_space<semaphore_mem>>
        %dma_wait3A_304 = arith.constant 0 : i32
        %dma_wait3A_305 = tpu.memref_slice %arg4[%add3A_293, %dma_wait3A_304] : memref<32768x4096xf32, #tpu.memory_space<hbm>> -> memref<8x4096xf32, #tpu.memory_space<hbm>>
        %dma_wait3A_306 = arith.constant 0 : i32
        %dma_wait3A_307 = arith.constant 0 : i32
        %dma_wait3A_308 = tpu.memref_slice %arg6[%dma_wait3A_294, %dma_wait3A_306, %dma_wait3A_307] : memref<3x8x4096xf32, #tpu.memory_space<vmem>> -> memref<1x8x4096xf32, #tpu.memory_space<vmem>>
        %dma_wait3A_309 = tpu.memref_squeeze %dma_wait3A_308 : memref<1x8x4096xf32, #tpu.memory_space<vmem>> -> memref<8x4096xf32, #tpu.memory_space<vmem>>
        tpu.wait_dma2 semaphore(%dma_wait3A_303 : memref<!tpu.dma_semaphore, #tpu.memory_space<semaphore_mem>>) src(%dma_wait3A_309 : memref<8x4096xf32, #tpu.memory_space<vmem>>) dst(%dma_wait3A_305 : memref<8x4096xf32, #tpu.memory_space<hbm>>)
        %mul3A_310 = arith.constant 8 : i32
        %mul3A_311 = arith.muli %add3A_241, %mul3A_310 : i32
        %dma_start3A_312 = arith.constant 1 : i32
        %dma_start3A_313 = arith.constant 1 : i32
        %dma_start3A_314 = arith.constant 0 : i32
        %dma_start3A_315 = arith.constant 0 : i32
        %dma_start3A_316 = tpu.memref_slice %arg6[%dma_start3A_312, %dma_start3A_314, %dma_start3A_315] : memref<3x8x4096xf32, #tpu.memory_space<vmem>> -> memref<1x8x4096xf32, #tpu.memory_space<vmem>>
        %dma_start3A_317 = tpu.memref_squeeze %dma_start3A_316 : memref<1x8x4096xf32, #tpu.memory_space<vmem>> -> memref<8x4096xf32, #tpu.memory_space<vmem>>
        %dma_start3A_318 = tpu.memref_slice %arg5[%mul3A_311] : memref<1024xi32, #tpu.memory_space<vmem>> -> memref<8xi32, #tpu.memory_space<vmem>>
        %dma_start3A_319 = arith.constant 0 : i32
        %dma_start3A_320 = arith.constant 0 : i32
        %dma_start3A_321 = tpu.memref_slice %arg3[%dma_start3A_319, %dma_start3A_320] : memref<168960x4096xf32, #tpu.memory_space<hbm>> -> memref<168960x4096xf32, #tpu.memory_space<hbm>>
        %dma_start3A_322 = tpu.memref_slice %arg7[%dma_start3A_313] : memref<3x!tpu.dma_semaphore, #tpu.memory_space<semaphore_mem>> -> memref<1x!tpu.dma_semaphore, #tpu.memory_space<semaphore_mem>>
        %dma_start3A_323 = tpu.memref_squeeze %dma_start3A_322 : memref<1x!tpu.dma_semaphore, #tpu.memory_space<semaphore_mem>> -> memref<!tpu.dma_semaphore, #tpu.memory_space<semaphore_mem>>
        tpu.enqueue_indirect_dma source(%dma_start3A_321 : memref<168960x4096xf32, #tpu.memory_space<hbm>>) target(%dma_start3A_317 : memref<8x4096xf32, #tpu.memory_space<vmem>>) offsets(%dma_start3A_318 : memref<8xi32, #tpu.memory_space<vmem>>) semaphore(%dma_start3A_323 : memref<!tpu.dma_semaphore, #tpu.memory_space<semaphore_mem>>)
      } else {
      }
      %mul3A_247 = arith.constant 3 : i32
      %mul3A_248 = arith.muli %scan3A_161, %mul3A_247 : i32
      %add3A_249 = arith.constant 2 : i32
      %add3A_250 = arith.addi %mul3A_248, %add3A_249 : i32
      %mul3A_251 = arith.constant 8 : i32
      %mul3A_252 = arith.muli %add3A_250, %mul3A_251 : i32
      %dma_wait3A_253 = arith.constant 2 : i32
      %dma_wait3A_254 = arith.constant 2 : i32
      %dma_wait3A_255 = arith.constant 0 : i32
      %dma_wait3A_256 = arith.constant 0 : i32
      %dma_wait3A_257 = tpu.memref_slice %arg6[%dma_wait3A_253, %dma_wait3A_255, %dma_wait3A_256] : memref<3x8x4096xf32, #tpu.memory_space<vmem>> -> memref<1x8x4096xf32, #tpu.memory_space<vmem>>
      %dma_wait3A_258 = tpu.memref_squeeze %dma_wait3A_257 : memref<1x8x4096xf32, #tpu.memory_space<vmem>> -> memref<8x4096xf32, #tpu.memory_space<vmem>>
      %dma_wait3A_259 = tpu.memref_slice %arg5[%mul3A_252] : memref<1024xi32, #tpu.memory_space<vmem>> -> memref<8xi32, #tpu.memory_space<vmem>>
      %dma_wait3A_260 = arith.constant 0 : i32
      %dma_wait3A_261 = arith.constant 0 : i32
      %dma_wait3A_262 = tpu.memref_slice %arg3[%dma_wait3A_260, %dma_wait3A_261] : memref<168960x4096xf32, #tpu.memory_space<hbm>> -> memref<168960x4096xf32, #tpu.memory_space<hbm>>
      %dma_wait3A_263 = tpu.memref_slice %arg7[%dma_wait3A_254] : memref<3x!tpu.dma_semaphore, #tpu.memory_space<semaphore_mem>> -> memref<1x!tpu.dma_semaphore, #tpu.memory_space<semaphore_mem>>
      %dma_wait3A_264 = tpu.memref_squeeze %dma_wait3A_263 : memref<1x!tpu.dma_semaphore, #tpu.memory_space<semaphore_mem>> -> memref<!tpu.dma_semaphore, #tpu.memory_space<semaphore_mem>>
      tpu.wait_indirect_dma semaphore(%dma_wait3A_264 : memref<!tpu.dma_semaphore, #tpu.memory_space<semaphore_mem>>) src(%dma_wait3A_262 : memref<168960x4096xf32, #tpu.memory_space<hbm>>) dst(%dma_wait3A_258 : memref<8x4096xf32, #tpu.memory_space<vmem>>)
      %mul3A_265 = arith.constant 8 : i32
      %mul3A_266 = arith.muli %add3A_250, %mul3A_265 : i32
      %add3A_267 = arith.addi %mul3A_2, %mul3A_266 : i32
      %dma_start3A_268 = arith.constant 2 : i32
      %dma_start3A_269 = arith.constant 2 : i32
      %dma_start3A_270 = arith.constant 0 : i32
      %dma_start3A_271 = arith.constant 0 : i32
      %dma_start3A_272 = tpu.memref_slice %arg6[%dma_start3A_268, %dma_start3A_270, %dma_start3A_271] : memref<3x8x4096xf32, #tpu.memory_space<vmem>> -> memref<1x8x4096xf32, #tpu.memory_space<vmem>>
      %dma_start3A_273 = tpu.memref_squeeze %dma_start3A_272 : memref<1x8x4096xf32, #tpu.memory_space<vmem>> -> memref<8x4096xf32, #tpu.memory_space<vmem>>
      %dma_start3A_274 = arith.constant 0 : i32
      %dma_start3A_275 = tpu.memref_slice %arg4[%add3A_267, %dma_start3A_274] : memref<32768x4096xf32, #tpu.memory_space<hbm>> -> memref<8x4096xf32, #tpu.memory_space<hbm>>
      %dma_start3A_276 = tpu.memref_slice %arg8[%dma_start3A_269] : memref<3x!tpu.dma_semaphore, #tpu.memory_space<semaphore_mem>> -> memref<1x!tpu.dma_semaphore, #tpu.memory_space<semaphore_mem>>
      %dma_start3A_277 = tpu.memref_squeeze %dma_start3A_276 : memref<1x!tpu.dma_semaphore, #tpu.memory_space<semaphore_mem>> -> memref<!tpu.dma_semaphore, #tpu.memory_space<semaphore_mem>>
      %dma_start3A_278 = arith.constant 0 : i32
      %dma_start3A_279 = tpu.memref_slice %arg4[%add3A_267, %dma_start3A_278] : memref<32768x4096xf32, #tpu.memory_space<hbm>> -> memref<8x4096xf32, #tpu.memory_space<hbm>>
      %dma_start3A_280 = arith.constant 0 : i32
      %dma_start3A_281 = arith.constant 0 : i32
      %dma_start3A_282 = tpu.memref_slice %arg6[%dma_start3A_268, %dma_start3A_280, %dma_start3A_281] : memref<3x8x4096xf32, #tpu.memory_space<vmem>> -> memref<1x8x4096xf32, #tpu.memory_space<vmem>>
      %dma_start3A_283 = tpu.memref_squeeze %dma_start3A_282 : memref<1x8x4096xf32, #tpu.memory_space<vmem>> -> memref<8x4096xf32, #tpu.memory_space<vmem>>
      tpu.enqueue_dma source(%dma_start3A_283 : memref<8x4096xf32, #tpu.memory_space<vmem>>) target(%dma_start3A_279 : memref<8x4096xf32, #tpu.memory_space<hbm>>) target_semaphore(%dma_start3A_277 : memref<!tpu.dma_semaphore, #tpu.memory_space<semaphore_mem>>)
      %add3A_284 = arith.constant 3 : i32
      %add3A_285 = arith.addi %add3A_250, %add3A_284 : i32
      %lt3A_286 = arith.constant 128 : i32
      %lt3A_287 = arith.cmpi slt, %add3A_285, %lt3A_286 : i32
      %convert_element_type3A_288 = arith.extui %lt3A_287 : i1 to i32
      %cond3A_289 = arith.constant 0 : i32
      %cond3A_290 = arith.cmpi ne, %convert_element_type3A_288, %cond3A_289 : i32
      scf.if %cond3A_290 {
        %mul3A_291 = arith.constant 8 : i32
        %mul3A_292 = arith.muli %add3A_250, %mul3A_291 : i32
        %add3A_293 = arith.addi %mul3A_2, %mul3A_292 : i32
        %dma_wait3A_294 = arith.constant 2 : i32
        %dma_wait3A_295 = arith.constant 2 : i32
        %dma_wait3A_296 = arith.constant 0 : i32
        %dma_wait3A_297 = arith.constant 0 : i32
        %dma_wait3A_298 = tpu.memref_slice %arg6[%dma_wait3A_294, %dma_wait3A_296, %dma_wait3A_297] : memref<3x8x4096xf32, #tpu.memory_space<vmem>> -> memref<1x8x4096xf32, #tpu.memory_space<vmem>>
        %dma_wait3A_299 = tpu.memref_squeeze %dma_wait3A_298 : memref<1x8x4096xf32, #tpu.memory_space<vmem>> -> memref<8x4096xf32, #tpu.memory_space<vmem>>
        %dma_wait3A_300 = arith.constant 0 : i32
        %dma_wait3A_301 = tpu.memref_slice %arg4[%add3A_293, %dma_wait3A_300] : memref<32768x4096xf32, #tpu.memory_space<hbm>> -> memref<8x4096xf32, #tpu.memory_space<hbm>>
        %dma_wait3A_302 = tpu.memref_slice %arg8[%dma_wait3A_295] : memref<3x!tpu.dma_semaphore, #tpu.memory_space<semaphore_mem>> -> memref<1x!tpu.dma_semaphore, #tpu.memory_space<semaphore_mem>>
        %dma_wait3A_303 = tpu.memref_squeeze %dma_wait3A_302 : memref<1x!tpu.dma_semaphore, #tpu.memory_space<semaphore_mem>> -> memref<!tpu.dma_semaphore, #tpu.memory_space<semaphore_mem>>
        %dma_wait3A_304 = arith.constant 0 : i32
        %dma_wait3A_305 = tpu.memref_slice %arg4[%add3A_293, %dma_wait3A_304] : memref<32768x4096xf32, #tpu.memory_space<hbm>> -> memref<8x4096xf32, #tpu.memory_space<hbm>>
        %dma_wait3A_306 = arith.constant 0 : i32
        %dma_wait3A_307 = arith.constant 0 : i32
        %dma_wait3A_308 = tpu.memref_slice %arg6[%dma_wait3A_294, %dma_wait3A_306, %dma_wait3A_307] : memref<3x8x4096xf32, #tpu.memory_space<vmem>> -> memref<1x8x4096xf32, #tpu.memory_space<vmem>>
        %dma_wait3A_309 = tpu.memref_squeeze %dma_wait3A_308 : memref<1x8x4096xf32, #tpu.memory_space<vmem>> -> memref<8x4096xf32, #tpu.memory_space<vmem>>
        tpu.wait_dma2 semaphore(%dma_wait3A_303 : memref<!tpu.dma_semaphore, #tpu.memory_space<semaphore_mem>>) src(%dma_wait3A_309 : memref<8x4096xf32, #tpu.memory_space<vmem>>) dst(%dma_wait3A_305 : memref<8x4096xf32, #tpu.memory_space<hbm>>)
        %mul3A_310 = arith.constant 8 : i32
        %mul3A_311 = arith.muli %add3A_285, %mul3A_310 : i32
        %dma_start3A_312 = arith.constant 2 : i32
        %dma_start3A_313 = arith.constant 2 : i32
        %dma_start3A_314 = arith.constant 0 : i32
        %dma_start3A_315 = arith.constant 0 : i32
        %dma_start3A_316 = tpu.memref_slice %arg6[%dma_start3A_312, %dma_start3A_314, %dma_start3A_315] : memref<3x8x4096xf32, #tpu.memory_space<vmem>> -> memref<1x8x4096xf32, #tpu.memory_space<vmem>>
        %dma_start3A_317 = tpu.memref_squeeze %dma_start3A_316 : memref<1x8x4096xf32, #tpu.memory_space<vmem>> -> memref<8x4096xf32, #tpu.memory_space<vmem>>
        %dma_start3A_318 = tpu.memref_slice %arg5[%mul3A_311] : memref<1024xi32, #tpu.memory_space<vmem>> -> memref<8xi32, #tpu.memory_space<vmem>>
        %dma_start3A_319 = arith.constant 0 : i32
        %dma_start3A_320 = arith.constant 0 : i32
        %dma_start3A_321 = tpu.memref_slice %arg3[%dma_start3A_319, %dma_start3A_320] : memref<168960x4096xf32, #tpu.memory_space<hbm>> -> memref<168960x4096xf32, #tpu.memory_space<hbm>>
        %dma_start3A_322 = tpu.memref_slice %arg7[%dma_start3A_313] : memref<3x!tpu.dma_semaphore, #tpu.memory_space<semaphore_mem>> -> memref<1x!tpu.dma_semaphore, #tpu.memory_space<semaphore_mem>>
        %dma_start3A_323 = tpu.memref_squeeze %dma_start3A_322 : memref<1x!tpu.dma_semaphore, #tpu.memory_space<semaphore_mem>> -> memref<!tpu.dma_semaphore, #tpu.memory_space<semaphore_mem>>
        tpu.enqueue_indirect_dma source(%dma_start3A_321 : memref<168960x4096xf32, #tpu.memory_space<hbm>>) target(%dma_start3A_317 : memref<8x4096xf32, #tpu.memory_space<vmem>>) offsets(%dma_start3A_318 : memref<8xi32, #tpu.memory_space<vmem>>) semaphore(%dma_start3A_323 : memref<!tpu.dma_semaphore, #tpu.memory_space<semaphore_mem>>)
      } else {
      }
    }
    %scan3A_45 = arith.constant 42 : i32
    %dma_wait3A = arith.constant 0 : i32
    %dma_wait3A_46 = arith.constant 0 : i32
    %dma_wait3A_47 = arith.constant 0 : i32
    %dma_wait3A_48 = arith.constant 0 : i32
    %dma_wait3A_49 = tpu.memref_slice %arg6[%dma_wait3A, %dma_wait3A_47, %dma_wait3A_48] : memref<3x8x4096xf32, #tpu.memory_space<vmem>> -> memref<1x8x4096xf32, #tpu.memory_space<vmem>>
    %dma_wait3A_50 = tpu.memref_squeeze %dma_wait3A_49 : memref<1x8x4096xf32, #tpu.memory_space<vmem>> -> memref<8x4096xf32, #tpu.memory_space<vmem>>
    %dma_wait3A_51 = arith.constant 1008 : i32
    %dma_wait3A_52 = tpu.memref_slice %arg5[%dma_wait3A_51] : memref<1024xi32, #tpu.memory_space<vmem>> -> memref<8xi32, #tpu.memory_space<vmem>>
    %dma_wait3A_53 = arith.constant 0 : i32
    %dma_wait3A_54 = arith.constant 0 : i32
    %dma_wait3A_55 = tpu.memref_slice %arg3[%dma_wait3A_53, %dma_wait3A_54] : memref<168960x4096xf32, #tpu.memory_space<hbm>> -> memref<168960x4096xf32, #tpu.memory_space<hbm>>
    %dma_wait3A_56 = tpu.memref_slice %arg7[%dma_wait3A_46] : memref<3x!tpu.dma_semaphore, #tpu.memory_space<semaphore_mem>> -> memref<1x!tpu.dma_semaphore, #tpu.memory_space<semaphore_mem>>
    %dma_wait3A_57 = tpu.memref_squeeze %dma_wait3A_56 : memref<1x!tpu.dma_semaphore, #tpu.memory_space<semaphore_mem>> -> memref<!tpu.dma_semaphore, #tpu.memory_space<semaphore_mem>>
    tpu.wait_indirect_dma semaphore(%dma_wait3A_57 : memref<!tpu.dma_semaphore, #tpu.memory_space<semaphore_mem>>) src(%dma_wait3A_55 : memref<168960x4096xf32, #tpu.memory_space<hbm>>) dst(%dma_wait3A_50 : memref<8x4096xf32, #tpu.memory_space<vmem>>)
    %add3A_58 = arith.constant 1008 : i32
    %add3A_59 = arith.addi %mul3A_2, %add3A_58 : i32
    %dma_start3A_60 = arith.constant 0 : i32
    %dma_start3A_61 = arith.constant 0 : i32
    %dma_start3A_62 = arith.constant 0 : i32
    %dma_start3A_63 = arith.constant 0 : i32
    %dma_start3A_64 = tpu.memref_slice %arg6[%dma_start3A_60, %dma_start3A_62, %dma_start3A_63] : memref<3x8x4096xf32, #tpu.memory_space<vmem>> -> memref<1x8x4096xf32, #tpu.memory_space<vmem>>
    %dma_start3A_65 = tpu.memref_squeeze %dma_start3A_64 : memref<1x8x4096xf32, #tpu.memory_space<vmem>> -> memref<8x4096xf32, #tpu.memory_space<vmem>>
    %dma_start3A_66 = arith.constant 0 : i32
    %dma_start3A_67 = tpu.memref_slice %arg4[%add3A_59, %dma_start3A_66] : memref<32768x4096xf32, #tpu.memory_space<hbm>> -> memref<8x4096xf32, #tpu.memory_space<hbm>>
    %dma_start3A_68 = tpu.memref_slice %arg8[%dma_start3A_61] : memref<3x!tpu.dma_semaphore, #tpu.memory_space<semaphore_mem>> -> memref<1x!tpu.dma_semaphore, #tpu.memory_space<semaphore_mem>>
    %dma_start3A_69 = tpu.memref_squeeze %dma_start3A_68 : memref<1x!tpu.dma_semaphore, #tpu.memory_space<semaphore_mem>> -> memref<!tpu.dma_semaphore, #tpu.memory_space<semaphore_mem>>
    %dma_start3A_70 = arith.constant 0 : i32
    %dma_start3A_71 = tpu.memref_slice %arg4[%add3A_59, %dma_start3A_70] : memref<32768x4096xf32, #tpu.memory_space<hbm>> -> memref<8x4096xf32, #tpu.memory_space<hbm>>
    %dma_start3A_72 = arith.constant 0 : i32
    %dma_start3A_73 = arith.constant 0 : i32
    %dma_start3A_74 = tpu.memref_slice %arg6[%dma_start3A_60, %dma_start3A_72, %dma_start3A_73] : memref<3x8x4096xf32, #tpu.memory_space<vmem>> -> memref<1x8x4096xf32, #tpu.memory_space<vmem>>
    %dma_start3A_75 = tpu.memref_squeeze %dma_start3A_74 : memref<1x8x4096xf32, #tpu.memory_space<vmem>> -> memref<8x4096xf32, #tpu.memory_space<vmem>>
    tpu.enqueue_dma source(%dma_start3A_75 : memref<8x4096xf32, #tpu.memory_space<vmem>>) target(%dma_start3A_71 : memref<8x4096xf32, #tpu.memory_space<hbm>>) target_semaphore(%dma_start3A_69 : memref<!tpu.dma_semaphore, #tpu.memory_space<semaphore_mem>>)
    %dma_wait3A_76 = arith.constant 1 : i32
    %dma_wait3A_77 = arith.constant 1 : i32
    %dma_wait3A_78 = arith.constant 0 : i32
    %dma_wait3A_79 = arith.constant 0 : i32
    %dma_wait3A_80 = tpu.memref_slice %arg6[%dma_wait3A_76, %dma_wait3A_78, %dma_wait3A_79] : memref<3x8x4096xf32, #tpu.memory_space<vmem>> -> memref<1x8x4096xf32, #tpu.memory_space<vmem>>
    %dma_wait3A_81 = tpu.memref_squeeze %dma_wait3A_80 : memref<1x8x4096xf32, #tpu.memory_space<vmem>> -> memref<8x4096xf32, #tpu.memory_space<vmem>>
    %dma_wait3A_82 = arith.constant 1016 : i32
    %dma_wait3A_83 = tpu.memref_slice %arg5[%dma_wait3A_82] : memref<1024xi32, #tpu.memory_space<vmem>> -> memref<8xi32, #tpu.memory_space<vmem>>
    %dma_wait3A_84 = arith.constant 0 : i32
    %dma_wait3A_85 = arith.constant 0 : i32
    %dma_wait3A_86 = tpu.memref_slice %arg3[%dma_wait3A_84, %dma_wait3A_85] : memref<168960x4096xf32, #tpu.memory_space<hbm>> -> memref<168960x4096xf32, #tpu.memory_space<hbm>>
    %dma_wait3A_87 = tpu.memref_slice %arg7[%dma_wait3A_77] : memref<3x!tpu.dma_semaphore, #tpu.memory_space<semaphore_mem>> -> memref<1x!tpu.dma_semaphore, #tpu.memory_space<semaphore_mem>>
    %dma_wait3A_88 = tpu.memref_squeeze %dma_wait3A_87 : memref<1x!tpu.dma_semaphore, #tpu.memory_space<semaphore_mem>> -> memref<!tpu.dma_semaphore, #tpu.memory_space<semaphore_mem>>
    tpu.wait_indirect_dma semaphore(%dma_wait3A_88 : memref<!tpu.dma_semaphore, #tpu.memory_space<semaphore_mem>>) src(%dma_wait3A_86 : memref<168960x4096xf32, #tpu.memory_space<hbm>>) dst(%dma_wait3A_81 : memref<8x4096xf32, #tpu.memory_space<vmem>>)
    %add3A_89 = arith.constant 1016 : i32
    %add3A_90 = arith.addi %mul3A_2, %add3A_89 : i32
    %dma_start3A_91 = arith.constant 1 : i32
    %dma_start3A_92 = arith.constant 1 : i32
    %dma_start3A_93 = arith.constant 0 : i32
    %dma_start3A_94 = arith.constant 0 : i32
    %dma_start3A_95 = tpu.memref_slice %arg6[%dma_start3A_91, %dma_start3A_93, %dma_start3A_94] : memref<3x8x4096xf32, #tpu.memory_space<vmem>> -> memref<1x8x4096xf32, #tpu.memory_space<vmem>>
    %dma_start3A_96 = tpu.memref_squeeze %dma_start3A_95 : memref<1x8x4096xf32, #tpu.memory_space<vmem>> -> memref<8x4096xf32, #tpu.memory_space<vmem>>
    %dma_start3A_97 = arith.constant 0 : i32
    %dma_start3A_98 = tpu.memref_slice %arg4[%add3A_90, %dma_start3A_97] : memref<32768x4096xf32, #tpu.memory_space<hbm>> -> memref<8x4096xf32, #tpu.memory_space<hbm>>
    %dma_start3A_99 = tpu.memref_slice %arg8[%dma_start3A_92] : memref<3x!tpu.dma_semaphore, #tpu.memory_space<semaphore_mem>> -> memref<1x!tpu.dma_semaphore, #tpu.memory_space<semaphore_mem>>
    %dma_start3A_100 = tpu.memref_squeeze %dma_start3A_99 : memref<1x!tpu.dma_semaphore, #tpu.memory_space<semaphore_mem>> -> memref<!tpu.dma_semaphore, #tpu.memory_space<semaphore_mem>>
    %dma_start3A_101 = arith.constant 0 : i32
    %dma_start3A_102 = tpu.memref_slice %arg4[%add3A_90, %dma_start3A_101] : memref<32768x4096xf32, #tpu.memory_space<hbm>> -> memref<8x4096xf32, #tpu.memory_space<hbm>>
    %dma_start3A_103 = arith.constant 0 : i32
    %dma_start3A_104 = arith.constant 0 : i32
    %dma_start3A_105 = tpu.memref_slice %arg6[%dma_start3A_91, %dma_start3A_103, %dma_start3A_104] : memref<3x8x4096xf32, #tpu.memory_space<vmem>> -> memref<1x8x4096xf32, #tpu.memory_space<vmem>>
    %dma_start3A_106 = tpu.memref_squeeze %dma_start3A_105 : memref<1x8x4096xf32, #tpu.memory_space<vmem>> -> memref<8x4096xf32, #tpu.memory_space<vmem>>
    tpu.enqueue_dma source(%dma_start3A_106 : memref<8x4096xf32, #tpu.memory_space<vmem>>) target(%dma_start3A_102 : memref<8x4096xf32, #tpu.memory_space<hbm>>) target_semaphore(%dma_start3A_100 : memref<!tpu.dma_semaphore, #tpu.memory_space<semaphore_mem>>)
    %add3A_107 = arith.constant 1000 : i32
    %add3A_108 = arith.addi %mul3A_2, %add3A_107 : i32
    %dma_wait3A_109 = arith.constant 2 : i32
    %dma_wait3A_110 = arith.constant 2 : i32
    %dma_wait3A_111 = arith.constant 0 : i32
    %dma_wait3A_112 = arith.constant 0 : i32
    %dma_wait3A_113 = tpu.memref_slice %arg6[%dma_wait3A_109, %dma_wait3A_111, %dma_wait3A_112] : memref<3x8x4096xf32, #tpu.memory_space<vmem>> -> memref<1x8x4096xf32, #tpu.memory_space<vmem>>
    %dma_wait3A_114 = tpu.memref_squeeze %dma_wait3A_113 : memref<1x8x4096xf32, #tpu.memory_space<vmem>> -> memref<8x4096xf32, #tpu.memory_space<vmem>>
    %dma_wait3A_115 = arith.constant 0 : i32
    %dma_wait3A_116 = tpu.memref_slice %arg4[%add3A_108, %dma_wait3A_115] : memref<32768x4096xf32, #tpu.memory_space<hbm>> -> memref<8x4096xf32, #tpu.memory_space<hbm>>
    %dma_wait3A_117 = tpu.memref_slice %arg8[%dma_wait3A_110] : memref<3x!tpu.dma_semaphore, #tpu.memory_space<semaphore_mem>> -> memref<1x!tpu.dma_semaphore, #tpu.memory_space<semaphore_mem>>
    %dma_wait3A_118 = tpu.memref_squeeze %dma_wait3A_117 : memref<1x!tpu.dma_semaphore, #tpu.memory_space<semaphore_mem>> -> memref<!tpu.dma_semaphore, #tpu.memory_space<semaphore_mem>>
    %dma_wait3A_119 = arith.constant 0 : i32
    %dma_wait3A_120 = tpu.memref_slice %arg4[%add3A_108, %dma_wait3A_119] : memref<32768x4096xf32, #tpu.memory_space<hbm>> -> memref<8x4096xf32, #tpu.memory_space<hbm>>
    %dma_wait3A_121 = arith.constant 0 : i32
    %dma_wait3A_122 = arith.constant 0 : i32
    %dma_wait3A_123 = tpu.memref_slice %arg6[%dma_wait3A_109, %dma_wait3A_121, %dma_wait3A_122] : memref<3x8x4096xf32, #tpu.memory_space<vmem>> -> memref<1x8x4096xf32, #tpu.memory_space<vmem>>
    %dma_wait3A_124 = tpu.memref_squeeze %dma_wait3A_123 : memref<1x8x4096xf32, #tpu.memory_space<vmem>> -> memref<8x4096xf32, #tpu.memory_space<vmem>>
    tpu.wait_dma2 semaphore(%dma_wait3A_118 : memref<!tpu.dma_semaphore, #tpu.memory_space<semaphore_mem>>) src(%dma_wait3A_124 : memref<8x4096xf32, #tpu.memory_space<vmem>>) dst(%dma_wait3A_120 : memref<8x4096xf32, #tpu.memory_space<hbm>>)
    %add3A_125 = arith.constant 1008 : i32
    %add3A_126 = arith.addi %mul3A_2, %add3A_125 : i32
    %dma_wait3A_127 = arith.constant 0 : i32
    %dma_wait3A_128 = arith.constant 0 : i32
    %dma_wait3A_129 = arith.constant 0 : i32
    %dma_wait3A_130 = arith.constant 0 : i32
    %dma_wait3A_131 = tpu.memref_slice %arg6[%dma_wait3A_127, %dma_wait3A_129, %dma_wait3A_130] : memref<3x8x4096xf32, #tpu.memory_space<vmem>> -> memref<1x8x4096xf32, #tpu.memory_space<vmem>>
    %dma_wait3A_132 = tpu.memref_squeeze %dma_wait3A_131 : memref<1x8x4096xf32, #tpu.memory_space<vmem>> -> memref<8x4096xf32, #tpu.memory_space<vmem>>
    %dma_wait3A_133 = arith.constant 0 : i32
    %dma_wait3A_134 = tpu.memref_slice %arg4[%add3A_126, %dma_wait3A_133] : memref<32768x4096xf32, #tpu.memory_space<hbm>> -> memref<8x4096xf32, #tpu.memory_space<hbm>>
    %dma_wait3A_135 = tpu.memref_slice %arg8[%dma_wait3A_128] : memref<3x!tpu.dma_semaphore, #tpu.memory_space<semaphore_mem>> -> memref<1x!tpu.dma_semaphore, #tpu.memory_space<semaphore_mem>>
    %dma_wait3A_136 = tpu.memref_squeeze %dma_wait3A_135 : memref<1x!tpu.dma_semaphore, #tpu.memory_space<semaphore_mem>> -> memref<!tpu.dma_semaphore, #tpu.memory_space<semaphore_mem>>
    %dma_wait3A_137 = arith.constant 0 : i32
    %dma_wait3A_138 = tpu.memref_slice %arg4[%add3A_126, %dma_wait3A_137] : memref<32768x4096xf32, #tpu.memory_space<hbm>> -> memref<8x4096xf32, #tpu.memory_space<hbm>>
    %dma_wait3A_139 = arith.constant 0 : i32
    %dma_wait3A_140 = arith.constant 0 : i32
    %dma_wait3A_141 = tpu.memref_slice %arg6[%dma_wait3A_127, %dma_wait3A_139, %dma_wait3A_140] : memref<3x8x4096xf32, #tpu.memory_space<vmem>> -> memref<1x8x4096xf32, #tpu.memory_space<vmem>>
    %dma_wait3A_142 = tpu.memref_squeeze %dma_wait3A_141 : memref<1x8x4096xf32, #tpu.memory_space<vmem>> -> memref<8x4096xf32, #tpu.memory_space<vmem>>
    tpu.wait_dma2 semaphore(%dma_wait3A_136 : memref<!tpu.dma_semaphore, #tpu.memory_space<semaphore_mem>>) src(%dma_wait3A_142 : memref<8x4096xf32, #tpu.memory_space<vmem>>) dst(%dma_wait3A_138 : memref<8x4096xf32, #tpu.memory_space<hbm>>)
    %add3A_143 = arith.constant 1016 : i32
    %add3A_144 = arith.addi %mul3A_2, %add3A_143 : i32
    %dma_wait3A_145 = arith.constant 1 : i32
    %dma_wait3A_146 = arith.constant 1 : i32
    %dma_wait3A_147 = arith.constant 0 : i32
    %dma_wait3A_148 = arith.constant 0 : i32
    %dma_wait3A_149 = tpu.memref_slice %arg6[%dma_wait3A_145, %dma_wait3A_147, %dma_wait3A_148] : memref<3x8x4096xf32, #tpu.memory_space<vmem>> -> memref<1x8x4096xf32, #tpu.memory_space<vmem>>
    %dma_wait3A_150 = tpu.memref_squeeze %dma_wait3A_149 : memref<1x8x4096xf32, #tpu.memory_space<vmem>> -> memref<8x4096xf32, #tpu.memory_space<vmem>>
    %dma_wait3A_151 = arith.constant 0 : i32
    %dma_wait3A_152 = tpu.memref_slice %arg4[%add3A_144, %dma_wait3A_151] : memref<32768x4096xf32, #tpu.memory_space<hbm>> -> memref<8x4096xf32, #tpu.memory_space<hbm>>
    %dma_wait3A_153 = tpu.memref_slice %arg8[%dma_wait3A_146] : memref<3x!tpu.dma_semaphore, #tpu.memory_space<semaphore_mem>> -> memref<1x!tpu.dma_semaphore, #tpu.memory_space<semaphore_mem>>
    %dma_wait3A_154 = tpu.memref_squeeze %dma_wait3A_153 : memref<1x!tpu.dma_semaphore, #tpu.memory_space<semaphore_mem>> -> memref<!tpu.dma_semaphore, #tpu.memory_space<semaphore_mem>>
    %dma_wait3A_155 = arith.constant 0 : i32
    %dma_wait3A_156 = tpu.memref_slice %arg4[%add3A_144, %dma_wait3A_155] : memref<32768x4096xf32, #tpu.memory_space<hbm>> -> memref<8x4096xf32, #tpu.memory_space<hbm>>
    %dma_wait3A_157 = arith.constant 0 : i32
    %dma_wait3A_158 = arith.constant 0 : i32
    %dma_wait3A_159 = tpu.memref_slice %arg6[%dma_wait3A_145, %dma_wait3A_157, %dma_wait3A_158] : memref<3x8x4096xf32, #tpu.memory_space<vmem>> -> memref<1x8x4096xf32, #tpu.memory_space<vmem>>
    %dma_wait3A_160 = tpu.memref_squeeze %dma_wait3A_159 : memref<1x8x4096xf32, #tpu.memory_space<vmem>> -> memref<8x4096xf32, #tpu.memory_space<vmem>>
    tpu.wait_dma2 semaphore(%dma_wait3A_154 : memref<!tpu.dma_semaphore, #tpu.memory_space<semaphore_mem>>) src(%dma_wait3A_160 : memref<8x4096xf32, #tpu.memory_space<vmem>>) dst(%dma_wait3A_156 : memref<8x4096xf32, #tpu.memory_space<hbm>>)
    return
  }
}

</mosaic_0001>

<sc_bundles>
// kernel: kernel.3.cloned.1.call-start
scs
__scs_entry_jumppad:
0x0: {  	(pc) =	sbr.rel $0x88, $3  }
0x1: {  	(tag) =	ssettag $0x0;
	lr =	simm.s32 $0x1  }
0x2: {  	[smem:$0x3F9F] =	sst lr;
	_ =	strace $0xD0000000  }
0x3: {  	_ = 	snop  }
0x4: {  	_ = 	snop  }
0x5: {  	_ = 	snop  }
0x6: {  	_ = 	snop  }
0x7: {  	_ = 	snop  }
__scs_overlays_trampoline_lowered:
0x8: {  	[smem:$0x3FAE] =	sst s0  }
0x9: {  	[smem:$0x3FAF] =	sst s1  }
0xa: {  	[smem:$0x3FB0] =	sst s2  }
0xb: {  	[smem:$0x3FB1] =	sst s3  }
0xc: {  	[smem:$0x3FB2] =	sst s4  }
0xd: {  	[smem:$0x3FB3] =	sst s5  }
0xe: {  	[smem:$0x3FB4] =	sst s6  }
0xf: {  	[smem:$0x3FB5] =	sst s7  }
0x10: {  	[smem:$0x3FB6] =	sst s8  }
0x11: {  	[smem:$0x3FB7] =	sst s9;
	s0 =	simm.s32 @!p0 $0x0  }
0x12: {  	s1 =	sld [smem:$0x3F9D];
	s0 =	simm.s32 @p0 $0x1  }
0x13: {  	[smem:$0x3FB8] =	sst s0;
	s0 =	simm.s32 @!p1 $0x0  }
0x14: {  	s2 =	sld [smem:$0x3F9C];
	s0 =	simm.s32 @p1 $0x1  }
0x15: {  	[smem:$0x3FB9] =	sst s0;
	s0 =	simm.s32 @!p2 $0x0  }
0x16: {  	s3 =	sld [smem:$0x3FDB];
	s0 =	simm.s32 @p2 $0x1  }
0x17: {  	s4 =	simm.s32 $0x1BF5;
	[smem:$0x3FBB] =	sst s0  }
0x18: {  	s0 =	sld [smem:$0x3F9E];
	_ =	swait.ge [sflag:s4], $0x0  }
0x19: {  	s7 =	sld [smem:$0x3F9F]  }
0x1a: {  	s8 =	sadd.s32 $0xFFFFE003, lr  }
0x1b: {  	s9 =	sadd.s32 $0xFFFFFEF7, lr;
	s5 =	simm.s32 $0xFFFFFFFF;
	p2 =	slt.u32 s8, $0xFFFFF086  }
0x1c: {  	p1 =	slt.u32 s9, $0xF7A;
	s5 =	simm.s32 @!p2 $0x0  }
0x1d: {  	s5 =	simm.s32 @p1 $0x1;
	p0 =	seq.s32 s7, s2  }
0x1e: {  	s7 =	smul.u32 @!p0 $0xF7A, s2;
	p2 =	seq.s32 @!p0 s5, $0x0  }
0x1f: {  	s9 =	smul.u32 $0xF7A, s1;
	s8 =	simm.s32 @!p0 $0x1BF5;
	p2 =	por !p2, p0  }
0x20: {  	[sflag:s8] =	ssyncset.s32 @!p0 $0xFFFFF086;
	s6 =	sadd.s32 @!p0 s3, s7;
	s7 =	simm.s32 @!p0 $0x108  }
0x21: {  	s3 =	sadd.s32 s3, s9;
	s6 =	sadd.s32 @!p0 $0x88, s6;
	s7 =	simm.s32 @p2 $0x1082  }
0x22: {  	[simem:s7], [sflag:s8] =	dma.local @!p0 [hbm:s6], $0xF7A  }
0x23: {  	s9 =	sor.u32 $0xD0000000, s2;
	s6 =	simm.s32 $0x108;
	_ =	swait.ge @!p0 [sflag:s8], $0x0  }
0x24: {  	s3 =	sadd.s32 $0x88, s3;
	s6 =	simm.s32 @!p1 $0x1082;
	[sflag:s4] =	ssyncset.s32 $0xFFFFF086  }
0x25: {  	[simem:s6], [sflag:s4] =	dma.local [hbm:s3], $0xF7A  }
0x26: {  	[smem:$0x3F9F] =	sst s1;
	(tag) =	ssettag s2;
	_ =	strace s9  }
0x27: {  	s1 =	sld [smem:$0x3FAF]  }
0x28: {  	s2 =	sld [smem:$0x3FB0]  }
0x29: {  	s4 =	sld [smem:$0x3FB2]  }
0x2a: {  	p0 =	seq.s32 s5, $0x0;
	s5 =	sld [smem:$0x3FB3]  }
0x2b: {  	s6 =	sld [smem:$0x3FB4]  }
0x2c: {  	s7 =	sld [smem:$0x3FB5]  }
0x2d: {  	s3 =	simm.s32 $0x108;
	s8 =	sld [smem:$0x3FB6]  }
0x2e: {  	s3 =	simm.s32 @!p0 $0x1082;
	s9 =	sld [smem:$0x3FB7]  }
0x2f: {  	lr =	sadd.s32 s0, s3;
	s0 =	sld [smem:$0x3FAE]  }
0x30: {  	s3 =	sld [smem:$0x3FB1]  }
0x31: {  	[smem:$0x3FBA] =	sst s10  }
0x32: {  	s10 =	sld [smem:$0x3FB8];
	_ =	sdelay $0x3  }
0x33: {  	p0 =	seq.s32 s10, $0x1;
	s10 =	sld [smem:$0x3FBA];
	_ =	sdelay $0x3  }
0x34: {  	[smem:$0x3FBA] =	sst s10  }
0x35: {  	s10 =	sld [smem:$0x3FB9];
	_ =	sdelay $0x3  }
0x36: {  	p1 =	seq.s32 s10, $0x1;
	s10 =	sld [smem:$0x3FBA];
	_ =	sdelay $0x3  }
0x37: {  	[smem:$0x3FBA] =	sst s10  }
0x38: {  	s10 =	sld [smem:$0x3FBB]  }
0x39: {  	_ = 	snop;
	(pc) =	sbr.ind lr, $3  }
0x3a: {  	_ = 	snop  }
0x3b: {  	_ = 	snop  }
0x3c: {  	p2 =	seq.s32 s10, $0x1;
	s10 =	sld [smem:$0x3FBA]  }
0x3d: {  	_ =	shalt  }
0x3e: {  	_ =	shalt  }
0x3f: {  	_ =	shalt  }
0x40: {  	_ =	shalt  }
0x41: {  	_ =	shalt  }
0x42: {  	_ =	shalt  }
0x43: {  	_ =	shalt  }
0x44: {  	_ =	shalt  }
0x45: {  	_ =	shalt  }
0x46: {  	_ =	shalt  }
0x47: {  	_ =	shalt  }
0x48: {  	_ =	shalt  }
0x49: {  	_ =	shalt  }
0x4a: {  	_ =	shalt  }
0x4b: {  	_ =	shalt  }
0x4c: {  	_ =	shalt  }
0x4d: {  	_ =	shalt  }
0x4e: {  	_ =	shalt  }
0x4f: {  	_ =	shalt  }
0x50: {  	_ =	shalt  }
0x51: {  	_ =	shalt  }
0x52: {  	_ =	shalt  }
0x53: {  	_ =	shalt  }
0x54: {  	_ =	shalt  }
0x55: {  	_ =	shalt  }
0x56: {  	_ =	shalt  }
0x57: {  	_ =	shalt  }
0x58: {  	_ =	shalt  }
0x59: {  	_ =	shalt  }
0x5a: {  	_ =	shalt  }
0x5b: {  	_ =	shalt  }
0x5c: {  	_ =	shalt  }
0x5d: {  	_ =	shalt  }
0x5e: {  	_ =	shalt  }
0x5f: {  	_ =	shalt  }
0x60: {  	_ =	shalt  }
0x61: {  	_ =	shalt  }
0x62: {  	_ =	shalt  }
0x63: {  	_ =	shalt  }
0x64: {  	_ =	shalt  }
0x65: {  	_ =	shalt  }
0x66: {  	_ =	shalt  }
0x67: {  	_ =	shalt  }
0x68: {  	_ =	shalt  }
0x69: {  	_ =	shalt  }
0x6a: {  	_ =	shalt  }
0x6b: {  	_ =	shalt  }
0x6c: {  	_ =	shalt  }
0x6d: {  	_ =	shalt  }
0x6e: {  	_ =	shalt  }
0x6f: {  	_ =	shalt  }
0x70: {  	_ =	shalt  }
0x71: {  	_ =	shalt  }
0x72: {  	_ =	shalt  }
0x73: {  	_ =	shalt  }
0x74: {  	_ =	shalt  }
0x75: {  	_ =	shalt  }
0x76: {  	_ =	shalt  }
0x77: {  	_ =	shalt  }
0x78: {  	_ =	shalt  }
0x79: {  	_ =	shalt  }
0x7a: {  	_ =	shalt  }
0x7b: {  	_ =	shalt  }
0x7c: {  	_ =	shalt  }
0x7d: {  	_ =	shalt  }
0x7e: {  	_ =	shalt  }
0x7f: {  	_ =	shalt  }
0x80: {  	_ =	shalt  }
0x81: {  	_ =	shalt  }
0x82: {  	_ =	shalt  }
0x83: {  	_ =	shalt  }
0x84: {  	_ =	shalt  }
0x85: {  	_ =	shalt  }
0x86: {  	_ =	shalt  }
0x87: {  	_ =	shalt  }
.Lfunc_end0:
.L_simem_size_0:
called_computation_lowered:
.L_overlay_start_0:
0x88: {  	s2 =	sld [smem:$0x3FD9]  }
0x89: {  	s3 =	sld [smem:$0x3FFE];
	_ =	sdelay $0x1  }
0x8a: {  	s1 =	srdreg.scid  }
0x8b: {  	s0 =	sand.u32 $0x1, s1  }
0x8c: {  	s17 =	sshll.u32 s0, $0xA;
	s2 =	sadd.s32 s3, s2  }
0x8d: {  	s2 =	sadd.s32 s2, s17  }
0x8e: {  	[smem:$0x3FC6] =	sst s2  }
0x8f: {  	_ = 	snop  }
0x90: {  	s2 =	sld [smem:$0x3FC8]  }
0x91: {  	s18 =	sld [smem:$0x3FD0];
	(tm) =	ssettm $0x1  }
0x92: {  	s4 =	sld [smem:$0x3FFB];
	_ =	sdelay $0x3  }
0x93: {  	_ =	strace s4  }
0x94: {  	s4 =	sld [smem:$0x3FFC];
	_ =	sdelay $0x3  }
0x95: {  	_ =	strace s4  }
0x96: {  	s4 =	sld [smem:$0x3FFD];
	_ =	sdelay $0x3  }
0x97: {  	_ =	strace s4  }
0x98: {  	_ =	strace $0x8FFFFFFF  }
0x99: {  	s19 =	sld [smem:$0x3FDB];
	_ =	sdelay $0x1  }
0x9a: {  	s5 =	simm.s32 $_scs_section_size  }
0x9b: {  	s6 =	simm.s32 $_size__tile_overlayer_lowered;
	s7 =	simm.s32 $_tile_overlayer_lowered  }
0x9c: {  	s22 =	simm.s32 $0x1BFF;
	s21 =	sshll.u32 s7, $0x1;
	s4 =	sadd.s32 s5, s19  }
0x9d: {  	s8 =	simm.s32 $0x0;
	s20 =	sshll.u32 s6, $0x1;
	s6 =	sadd.s32 s21, s4  }
0x9e: {  	[timem:s8], [sflag:s22] =	dma.local [hbm:s6], s20  }
0x9f: {  	_ =	swait.ge [sflag:s22], s20  }
0xa0: {  	s5 =	ssub.s32 $0x0, s20;
	[sflag:s22] =	ssyncset.done $0x0  }
0xa1: {  	[sflag:s22] =	ssyncadd.s32 s5;
	_ =	sdelay $0x1  }
0xa2: {  	s23 =	simm.s32 $0x1B8B  }
0xa3: {  	_ =	swait.ge [sflag:s23], $0x1  }
0xa4: {  	[sflag:s23] =	ssyncset.done $0x0  }
0xa5: {  	s25 =	simm.s32 $0x1B8E;
	s24 =	sld [smem:$0x3FFE];
	[sflag:s23] =	ssyncadd.s32 $0xFFFFFFFF  }
0xa6: {  	s26 =	simm.s32 $execute0_lowered;
	[smem:$0x3FD2] =	sst s25  }
0xa7: {  	s6 =	sshll.u32 s26, $0x1;
	_ =	strace $0x80000046;
	[dreg:$0x1] =	wrdreg $0xFFFFFFFF  }
0xa8: {  	s28 =	simm.s32 $_size_execute0_lowered;
	s4 =	sadd.s32 s4, s6;
	[dreg:$0x0] =	wrdreg $0x0  }
0xa9: {  	s6 =	sshll.u32 s28, $0x1;
	[dreg:$0x2] =	wrdreg s4  }
0xaa: {  	[dreg:$0x3] =	wrdreg s6  }
0xab: {  	[dreg:$0x4] =	wrdreg $0xC0  }
0xac: {  	_ =	task [dreg:s8], $0x5FFFF  }
0xad: {  	[dreg:$0x1] =	wrdreg $0xFFFFFFFF  }
0xae: {  	[dreg:$0x0] =	wrdreg $0x60  }
0xaf: {  	[dreg:$0x2] =	wrdreg s24  }
0xb0: {  	[dreg:$0x3] =	wrdreg s2  }
0xb1: {  	[dreg:$0x4] =	wrdreg s18  }
0xb2: {  	[dreg:$0x5] =	wrdreg $0x9  }
0xb3: {  	_ =	task.clear_ibuf [dreg:s8], $0x6FFFF;
	_ =	strace $0x90000046  }
0xb4: {  	s29 =	simm.s32 $0x9;
	_ =	strace $0x80000048  }
0xb5: {  	_ =	swait.ge [sflag:s29], $0x1  }
0xb6: {  	[sflag:s29] =	ssyncadd.s32 $0xFFFFFFFF  }
0xb7: {  	_ =	strace $0x90000048  }
0xb8: {  	_ =	sfence  }
0xb9: {  	s30 =	sld [smem:$0x0];
	_ =	sdelay $0x2  }
0xba: {  	s31 =	sshll.u32 s1, $0xD;
	s1 =	sshrl.u32 s1, $0x2  }
0xbb: {  	s3 =	sand.u32 $0x4000, s31;
	s1 =	sadd.s32 s1, s30  }
0xbc: {  	s0 =	sor.u32 s3, s0;
	s1 =	sshll.u32 s1, $0x11  }
0xbd: {  	s0 =	sor.u32 s1, s0  }
0xbe: {  	s0 =	sadd.s32 $0x8F2B, s0  }
0xbf: {  	[sflag:s0] =	ssyncadd.remote.s32 $0x1  }
0xc0: {  	_ =	sfence.sel $0xFFFF  }
0xc1: {  	[dreg:$0x0] =	wrdreg $0xFFFFFFFF;
	(pc) =	sbr.abs _section_cstart, $3  }
0xc2: {  	[dreg:$0x1] =	wrdreg $0xFFFFFFFF  }
0xc3: {  	_ =	task.clear_ibuf [dreg:s8], $0x2FFFF;
	_ =	strace $0x9FFFFFFF  }
0xc4: {  	(tm) =	ssettm $0x7FFFFFFF  }
0xc5: {  	_ =	shalt  }
tec
execute0_lowered:
.L_overlay_start_1:
0x0: {  	(tag) =	ssettag $0x1  }
0x1: {  	s0 =	rddreg [dreg:$0x0]  }
0x2: {  	s1 =	srdreg.scid;
	s2 =	rddreg [dreg:$0x1]  }
0x3: {  	s21 =	stileid.u32;
	s4 =	rddreg [dreg:$0x2];
	s29 =	simm.s32 $0x8400  }
0x4: {  	s31 =	simm.s32 $0x17C00;
	s24 =	simm.s32 $0x2;
	s23 =	simm.s32 $0x0  }
0x5: {  	s1 =	sand.u32 $0x1, s1;
	s3 =	sshll.u32 s21, $0xB;
	s7 =	sadd.s32 $0x300, s2  }
0x6: {  	s8 =	sadd.s32 $0x400, s2;
	s9 =	sadd.s32 $0x500, s2;
	s10 =	sadd.s32 $0x600, s2  }
0x7: {  	s11 =	sadd.s32 $0x700, s2;
	s12 =	sadd.s32 $0x800, s2;
	s13 =	sadd.s32 $0x900, s2  }
0x8: {  	s14 =	sadd.s32 $0xA00, s2;
	s15 =	sadd.s32 $0xB00, s2;
	s16 =	sadd.s32 $0xC00, s2  }
0x9: {  	s17 =	sadd.s32 $0xD00, s2;
	s18 =	sadd.s32 $0xE00, s2;
	s21 =	sshll.u32 s21, $0x14  }
0xa: {  	s5 =	sshll.u32 s1, $0xA;
	s6 =	ssub.s32 $0x2, s1;
	s1 =	sshll.u32 s1, $0x13  }
0xb: {  	s19 =	sor.u32 s5, s3;
	s3 =	simm.s32 $0x0;
	s25 =	sshrl.u32 s6, $0x1  }
0xc: {  	s5 =	sshrl.u32 s19, $0x3;
	[smem:$0x7FF] =	sst s3;
	s20 =	ssub.s32 s6, s25  }
0xd: {  	s6 =	sadd.s32 $0x200, s2;
	s26 =	sshll.u32 s19, $0x9;
	s19 =	sadd.s32 $0xF00, s2  }
0xe: {  	s25 =	simm.s32 $0x400;
	s0 =	sadd.s32 s5, s0;
	s28 =	smax.u32 s20, $0x1  }
0xf: {  	_ =	strace $0x80000047;
	s0 =	sadd.s32 $0x400, s0;
	[dreg:$0x7] =	wrdreg s28  }
0x10: {  	s5 =	sadd.s32 $0x100, s2;
	s20 =	simm.s32 $0x5;
	[dreg:$0x4] =	wrdreg s0  }
.Ltmp0:
0x11: {  	s0 =	sadd.s32 s26, s4;
	s4 =	sadd.s32 s21, s4;
	(pc) =	sbr.rel .LBB2_1-.Ltmp0, $4  }
0x12: {  	s26 =	simm.s32 $0x3;
	s21 =	simm.s32 $0x6;
	s22 =	sadd.s32 $0x7E000, s0  }
0x13: {  	v0 =	vlaneseq.u32;
	s0 =	sadd.s32 $0x7F000, s0;
	s30 =	sadd.s32 s1, s4;
	[dreg:$0x5] =	wrdreg s22  }
0x14: {  	v1 =	vshrl.u32 v0, $0x3;
	s4 =	simm.s32 $0x1;
	[dreg:$0x6] =	wrdreg s0;
	s0 =	sadd.s32 $0x2000, s30  }
0x15: {  	vm0 =	vmmov $0xffff;
	v0 =	vand.u32 $0x7, v0;
	v1 =	vmul.u32 $0x8, v1;
	s1 =	simm.s32 $0x4;
	[dreg:$0x8] =	wrdreg s0;
	s0 =	simm.s32 $0x10400  }
.LBB2_4:
0x16: {  	_ =	swait.ge [sflag:s4], $0x8000  }
0x17: {  	[sflag:s4] =	ssyncset.done $0x0  }
0x18: {  	s22 =	rddreg [dreg:$0x5];
	[sflag:s4] =	ssyncadd.s32 $0xFFFF8000  }
0x19: {  	[hbm4b:s22+s3] =	stream.linear.scatter [tilespmem:s25], [sflag:$0x4], $0x8000, $0x38;
	[tilespmem:$0x18400] =	vst v63  }
0x1a: {  	_ =	swait.ge [sflag:s24], $0x8000  }
0x1b: {  	[sflag:s24] =	ssyncset.done $0x0  }
0x1c: {  	s28 =	rddreg [dreg:$0x6];
	[sflag:s24] =	ssyncadd.s32 $0xFFFF8000  }
0x1d: {  	[hbm4b:s28+s3] =	stream.linear.scatter [tilespmem:s29], [sflag:$0x5], $0x8000, $0x38;
	[tilespmem:$0x18400] =	vst v63  }
0x1e: {  	_ =	swait.ge [sflag:s21], $0x8000  }
0x1f: {  	[sflag:s21] =	ssyncset.done $0x0  }
0x20: {  	[sflag:s21] =	ssyncadd.s32 $0xFFFF8000  }
0x21: {  	_ =	swait.ge [sflag:s1], $0x8000  }
0x22: {  	[sflag:s1] =	ssyncset.done $0x0  }
0x23: {  	[sflag:s1] =	ssyncadd.s32 $0xFFFF8000  }
0x24: {  	_ =	swait.ge [sflag:s20], $0x8000  }
0x25: {  	s23 =	rddreg [dreg:$0x9]  }
0x26: {  	s30 =	rddreg [dreg:$0x7];
	s23 =	sadd.s32 $0x1, s23  }
0x27: {  	p0 =	sne.s32 s23, s30  }
.Ltmp1:
0x28: {  	_ = 	snop;
	(pc) =	sbr.rel @!p0 .LBB2_5-.Ltmp1, $3  }
0x29: {  	_ =	sdelay $0x1  }
0x2a: {  	[sflag:s20] =	ssyncset.done $0x0  }
0x2b: {  	[sflag:s20] =	ssyncadd.s32 $0xFFFF8000  }
.LBB2_1:
0x2c: {  	[dreg:$0x9] =	wrdreg s23  }
0x2d: {  	s22 =	rddreg [dreg:$0x4];
	s30 =	simm.s32 $0x7  }
0x2e: {  	[tilespmem:s3], [sflag:$0x7] =	stream.linear.gather [hbm4b:s22+s3], $0x400, $0x38;
	[tilespmem:$0x18400] =	vst v63  }
0x2f: {  	_ =	swait.ge [sflag:s30], $0x400  }
0x30: {  	[sflag:s30] =	ssyncset.done $0x0  }
0x31: {  	[sflag:s30] =	ssyncadd.s32 $0xFFFFFC00  }
0x32: {  	v2 =	vld.msk [tilespmem:$0x0], $0xff;
	_ =	sdelay $0x4  }
0x33: {  	v3 =	vshll.u32 v2, $0x5  }
0x34: {  	v2 =	vand.u32 $0x7, v2;
	v3 =	vand.u32 $0xFFFFFF00, v3  }
0x35: {  	v2 =	vor.u32 v2, v3  }
0x36: {  	v2 =	vperm.xlane v2, v0;
	_ =	sdelay $0x1  }
0x37: {  	v2 =	vadd.s32 v1, v2;
	_ =	sdelay $0x4  }
0x38: {  	[tilespmem:s25], [sflag:$0x1] =	stream.indirect_vreg.gather [hbm4b:s2+s3], $0x80, v2, vm0, $0xb8;
	[tilespmem:$0x18400] =	vst v63  }
0x39: {  	s23 =	simm.s32 $0xC00  }
0x3a: {  	[tilespmem:s23], [sflag:$0x1] =	stream.indirect_vreg.gather [hbm4b:s5+s3], $0x80, v2, vm0, $0xb8;
	[tilespmem:$0x18400] =	vst v63  }
0x3b: {  	s30 =	simm.s32 $0x1400  }
0x3c: {  	[tilespmem:s30], [sflag:$0x1] =	stream.indirect_vreg.gather [hbm4b:s6+s3], $0x80, v2, vm0, $0xb8;
	[tilespmem:$0x18400] =	vst v63  }
0x3d: {  	s23 =	simm.s32 $0x1C00  }
0x3e: {  	[tilespmem:s23], [sflag:$0x1] =	stream.indirect_vreg.gather [hbm4b:s7+s3], $0x80, v2, vm0, $0xb8;
	[tilespmem:$0x18400] =	vst v63  }
0x3f: {  	s30 =	simm.s32 $0x2400  }
0x40: {  	[tilespmem:s30], [sflag:$0x1] =	stream.indirect_vreg.gather [hbm4b:s8+s3], $0x80, v2, vm0, $0xb8;
	[tilespmem:$0x18400] =	vst v63  }
0x41: {  	s23 =	simm.s32 $0x2C00  }
0x42: {  	[tilespmem:s23], [sflag:$0x1] =	stream.indirect_vreg.gather [hbm4b:s9+s3], $0x80, v2, vm0, $0xb8;
	[tilespmem:$0x18400] =	vst v63  }
0x43: {  	s30 =	simm.s32 $0x3400  }
0x44: {  	[tilespmem:s30], [sflag:$0x1] =	stream.indirect_vreg.gather [hbm4b:s10+s3], $0x80, v2, vm0, $0xb8;
	[tilespmem:$0x18400] =	vst v63  }
0x45: {  	s23 =	simm.s32 $0x3C00  }
0x46: {  	[tilespmem:s23], [sflag:$0x1] =	stream.indirect_vreg.gather [hbm4b:s11+s3], $0x80, v2, vm0, $0xb8;
	[tilespmem:$0x18400] =	vst v63  }
0x47: {  	s30 =	simm.s32 $0x4400  }
0x48: {  	[tilespmem:s30], [sflag:$0x1] =	stream.indirect_vreg.gather [hbm4b:s12+s3], $0x80, v2, vm0, $0xb8;
	[tilespmem:$0x18400] =	vst v63  }
0x49: {  	s23 =	simm.s32 $0x4C00  }
0x4a: {  	[tilespmem:s23], [sflag:$0x1] =	stream.indirect_vreg.gather [hbm4b:s13+s3], $0x80, v2, vm0, $0xb8;
	[tilespmem:$0x18400] =	vst v63  }
0x4b: {  	s30 =	simm.s32 $0x5400  }
0x4c: {  	[tilespmem:s30], [sflag:$0x1] =	stream.indirect_vreg.gather [hbm4b:s14+s3], $0x80, v2, vm0, $0xb8;
	[tilespmem:$0x18400] =	vst v63  }
0x4d: {  	s23 =	simm.s32 $0x5C00  }
0x4e: {  	[tilespmem:s23], [sflag:$0x1] =	stream.indirect_vreg.gather [hbm4b:s15+s3], $0x80, v2, vm0, $0xb8;
	[tilespmem:$0x18400] =	vst v63  }
0x4f: {  	s30 =	simm.s32 $0x6400  }
0x50: {  	[tilespmem:s30], [sflag:$0x1] =	stream.indirect_vreg.gather [hbm4b:s16+s3], $0x80, v2, vm0, $0xb8;
	[tilespmem:$0x18400] =	vst v63  }
0x51: {  	s23 =	simm.s32 $0x6C00  }
0x52: {  	[tilespmem:s23], [sflag:$0x1] =	stream.indirect_vreg.gather [hbm4b:s17+s3], $0x80, v2, vm0, $0xb8;
	[tilespmem:$0x18400] =	vst v63  }
0x53: {  	s30 =	simm.s32 $0x7400  }
0x54: {  	[tilespmem:s30], [sflag:$0x1] =	stream.indirect_vreg.gather [hbm4b:s18+s3], $0x80, v2, vm0, $0xb8;
	[tilespmem:$0x18400] =	vst v63  }
0x55: {  	s23 =	simm.s32 $0x7C00  }
0x56: {  	[tilespmem:s23], [sflag:$0x1] =	stream.indirect_vreg.gather [hbm4b:s19+s3], $0x80, v2, vm0, $0xb8;
	[tilespmem:$0x18400] =	vst v63  }
0x57: {  	v2 =	vld.msk [tilespmem:$0x8], $0xff;
	_ =	sdelay $0x4  }
0x58: {  	v3 =	vshll.u32 v2, $0x5  }
0x59: {  	v2 =	vand.u32 $0x7, v2;
	v3 =	vand.u32 $0xFFFFFF00, v3  }
0x5a: {  	v2 =	vor.u32 v2, v3  }
0x5b: {  	v2 =	vperm.xlane v2, v0;
	_ =	sdelay $0x1  }
0x5c: {  	v2 =	vadd.s32 v1, v2;
	_ =	sdelay $0x4  }
0x5d: {  	[tilespmem:s29], [sflag:$0x2] =	stream.indirect_vreg.gather [hbm4b:s2+s3], $0x80, v2, vm0, $0xb8;
	[tilespmem:$0x18400] =	vst v63  }
0x5e: {  	s30 =	simm.s32 $0x8C00  }
0x5f: {  	[tilespmem:s30], [sflag:$0x2] =	stream.indirect_vreg.gather [hbm4b:s5+s3], $0x80, v2, vm0, $0xb8;
	[tilespmem:$0x18400] =	vst v63  }
0x60: {  	s23 =	simm.s32 $0x9400  }
0x61: {  	[tilespmem:s23], [sflag:$0x2] =	stream.indirect_vreg.gather [hbm4b:s6+s3], $0x80, v2, vm0, $0xb8;
	[tilespmem:$0x18400] =	vst v63  }
0x62: {  	s30 =	simm.s32 $0x9C00  }
0x63: {  	[tilespmem:s30], [sflag:$0x2] =	stream.indirect_vreg.gather [hbm4b:s7+s3], $0x80, v2, vm0, $0xb8;
	[tilespmem:$0x18400] =	vst v63  }
0x64: {  	s23 =	simm.s32 $0xA400  }
0x65: {  	[tilespmem:s23], [sflag:$0x2] =	stream.indirect_vreg.gather [hbm4b:s8+s3], $0x80, v2, vm0, $0xb8;
	[tilespmem:$0x18400] =	vst v63  }
0x66: {  	s30 =	simm.s32 $0xAC00  }
0x67: {  	[tilespmem:s30], [sflag:$0x2] =	stream.indirect_vreg.gather [hbm4b:s9+s3], $0x80, v2, vm0, $0xb8;
	[tilespmem:$0x18400] =	vst v63  }
0x68: {  	s23 =	simm.s32 $0xB400  }
0x69: {  	[tilespmem:s23], [sflag:$0x2] =	stream.indirect_vreg.gather [hbm4b:s10+s3], $0x80, v2, vm0, $0xb8;
	[tilespmem:$0x18400] =	vst v63  }
0x6a: {  	s30 =	simm.s32 $0xBC00  }
0x6b: {  	[tilespmem:s30], [sflag:$0x2] =	stream.indirect_vreg.gather [hbm4b:s11+s3], $0x80, v2, vm0, $0xb8;
	[tilespmem:$0x18400] =	vst v63  }
0x6c: {  	s23 =	simm.s32 $0xC400  }
0x6d: {  	[tilespmem:s23], [sflag:$0x2] =	stream.indirect_vreg.gather [hbm4b:s12+s3], $0x80, v2, vm0, $0xb8;
	[tilespmem:$0x18400] =	vst v63  }
0x6e: {  	s30 =	simm.s32 $0xCC00  }
0x6f: {  	[tilespmem:s30], [sflag:$0x2] =	stream.indirect_vreg.gather [hbm4b:s13+s3], $0x80, v2, vm0, $0xb8;
	[tilespmem:$0x18400] =	vst v63  }
0x70: {  	s23 =	simm.s32 $0xD400  }
0x71: {  	[tilespmem:s23], [sflag:$0x2] =	stream.indirect_vreg.gather [hbm4b:s14+s3], $0x80, v2, vm0, $0xb8;
	[tilespmem:$0x18400] =	vst v63  }
0x72: {  	s30 =	simm.s32 $0xDC00  }
0x73: {  	[tilespmem:s30], [sflag:$0x2] =	stream.indirect_vreg.gather [hbm4b:s15+s3], $0x80, v2, vm0, $0xb8;
	[tilespmem:$0x18400] =	vst v63  }
0x74: {  	s23 =	simm.s32 $0xE400  }
0x75: {  	[tilespmem:s23], [sflag:$0x2] =	stream.indirect_vreg.gather [hbm4b:s16+s3], $0x80, v2, vm0, $0xb8;
	[tilespmem:$0x18400] =	vst v63  }
0x76: {  	s30 =	simm.s32 $0xEC00  }
0x77: {  	[tilespmem:s30], [sflag:$0x2] =	stream.indirect_vreg.gather [hbm4b:s17+s3], $0x80, v2, vm0, $0xb8;
	[tilespmem:$0x18400] =	vst v63  }
0x78: {  	s23 =	simm.s32 $0xF400  }
0x79: {  	[tilespmem:s23], [sflag:$0x2] =	stream.indirect_vreg.gather [hbm4b:s18+s3], $0x80, v2, vm0, $0xb8;
	[tilespmem:$0x18400] =	vst v63  }
0x7a: {  	s30 =	simm.s32 $0xFC00  }
0x7b: {  	[tilespmem:s30], [sflag:$0x2] =	stream.indirect_vreg.gather [hbm4b:s19+s3], $0x80, v2, vm0, $0xb8;
	[tilespmem:$0x18400] =	vst v63  }
0x7c: {  	v2 =	vld.msk [tilespmem:$0x10], $0xff;
	_ =	sdelay $0x4  }
0x7d: {  	v3 =	vshll.u32 v2, $0x5  }
0x7e: {  	v2 =	vand.u32 $0x7, v2;
	v3 =	vand.u32 $0xFFFFFF00, v3  }
0x7f: {  	v2 =	vor.u32 v2, v3  }
0x80: {  	v2 =	vperm.xlane v2, v0;
	_ =	sdelay $0x1  }
0x81: {  	v2 =	vadd.s32 v1, v2;
	_ =	sdelay $0x4  }
0x82: {  	[tilespmem:s0], [sflag:$0x3] =	stream.indirect_vreg.gather [hbm4b:s2+s3], $0x80, v2, vm0, $0xb8;
	[tilespmem:$0x18400] =	vst v63  }
0x83: {  	s23 =	simm.s32 $0x10C00  }
0x84: {  	[tilespmem:s23], [sflag:$0x3] =	stream.indirect_vreg.gather [hbm4b:s5+s3], $0x80, v2, vm0, $0xb8;
	[tilespmem:$0x18400] =	vst v63  }
0x85: {  	s30 =	simm.s32 $0x11400  }
0x86: {  	[tilespmem:s30], [sflag:$0x3] =	stream.indirect_vreg.gather [hbm4b:s6+s3], $0x80, v2, vm0, $0xb8;
	[tilespmem:$0x18400] =	vst v63  }
0x87: {  	s23 =	simm.s32 $0x11C00  }
0x88: {  	[tilespmem:s23], [sflag:$0x3] =	stream.indirect_vreg.gather [hbm4b:s7+s3], $0x80, v2, vm0, $0xb8;
	[tilespmem:$0x18400] =	vst v63  }
0x89: {  	s30 =	simm.s32 $0x12400  }
0x8a: {  	[tilespmem:s30], [sflag:$0x3] =	stream.indirect_vreg.gather [hbm4b:s8+s3], $0x80, v2, vm0, $0xb8;
	[tilespmem:$0x18400] =	vst v63  }
0x8b: {  	s23 =	simm.s32 $0x12C00  }
0x8c: {  	[tilespmem:s23], [sflag:$0x3] =	stream.indirect_vreg.gather [hbm4b:s9+s3], $0x80, v2, vm0, $0xb8;
	[tilespmem:$0x18400] =	vst v63  }
0x8d: {  	s30 =	simm.s32 $0x13400  }
0x8e: {  	[tilespmem:s30], [sflag:$0x3] =	stream.indirect_vreg.gather [hbm4b:s10+s3], $0x80, v2, vm0, $0xb8;
	[tilespmem:$0x18400] =	vst v63  }
0x8f: {  	s23 =	simm.s32 $0x13C00  }
0x90: {  	[tilespmem:s23], [sflag:$0x3] =	stream.indirect_vreg.gather [hbm4b:s11+s3], $0x80, v2, vm0, $0xb8;
	[tilespmem:$0x18400] =	vst v63  }
0x91: {  	s30 =	simm.s32 $0x14400  }
0x92: {  	[tilespmem:s30], [sflag:$0x3] =	stream.indirect_vreg.gather [hbm4b:s12+s3], $0x80, v2, vm0, $0xb8;
	[tilespmem:$0x18400] =	vst v63  }
0x93: {  	s23 =	simm.s32 $0x14C00  }
0x94: {  	[tilespmem:s23], [sflag:$0x3] =	stream.indirect_vreg.gather [hbm4b:s13+s3], $0x80, v2, vm0, $0xb8;
	[tilespmem:$0x18400] =	vst v63  }
0x95: {  	s30 =	simm.s32 $0x15400  }
0x96: {  	[tilespmem:s30], [sflag:$0x3] =	stream.indirect_vreg.gather [hbm4b:s14+s3], $0x80, v2, vm0, $0xb8;
	[tilespmem:$0x18400] =	vst v63  }
0x97: {  	s23 =	simm.s32 $0x15C00  }
0x98: {  	[tilespmem:s23], [sflag:$0x3] =	stream.indirect_vreg.gather [hbm4b:s15+s3], $0x80, v2, vm0, $0xb8;
	[tilespmem:$0x18400] =	vst v63  }
0x99: {  	s30 =	simm.s32 $0x16400  }
0x9a: {  	[tilespmem:s30], [sflag:$0x3] =	stream.indirect_vreg.gather [hbm4b:s16+s3], $0x80, v2, vm0, $0xb8;
	[tilespmem:$0x18400] =	vst v63  }
0x9b: {  	s23 =	simm.s32 $0x16C00  }
0x9c: {  	[tilespmem:s23], [sflag:$0x3] =	stream.indirect_vreg.gather [hbm4b:s17+s3], $0x80, v2, vm0, $0xb8;
	[tilespmem:$0x18400] =	vst v63  }
0x9d: {  	s30 =	simm.s32 $0x17400  }
0x9e: {  	[tilespmem:s30], [sflag:$0x3] =	stream.indirect_vreg.gather [hbm4b:s18+s3], $0x80, v2, vm0, $0xb8;
	[tilespmem:$0x18400] =	vst v63  }
0x9f: {  	s28 =	simm.s32 $0x0;
	s22 =	rddreg [dreg:$0x8]  }
0xa0: {  	[tilespmem:s31], [sflag:$0x3] =	stream.indirect_vreg.gather [hbm4b:s19+s3], $0x80, v2, vm0, $0xb8;
	[tilespmem:$0x18400] =	vst v63  }
.LBB2_2:
0xa1: {  	_ =	swait.ge [sflag:s4], $0x8000  }
0xa2: {  	[sflag:s4] =	ssyncset.done $0x0  }
0xa3: {  	s30 =	sadd.s32 $0xFFFFE000, s22;
	[sflag:s4] =	ssyncadd.s32 $0xFFFF8000  }
0xa4: {  	[hbm4b:s30+s3] =	stream.linear.scatter [tilespmem:s25], [sflag:$0x4], $0x8000, $0x38;
	[tilespmem:$0x18400] =	vst v63  }
0xa5: {  	_ =	swait.ge [sflag:s1], $0x8000  }
0xa6: {  	[sflag:s1] =	ssyncset.done $0x0  }
0xa7: {  	s30 =	sshra.s32 s28, $0x2;
	[sflag:s1] =	ssyncadd.s32 $0xFFFF8000  }
0xa8: {  	v2 =	vld.msk [tilespmem:s30+$0x18], $0xff;
	_ =	sdelay $0x4  }
0xa9: {  	v3 =	vshll.u32 v2, $0x5  }
0xaa: {  	v2 =	vand.u32 $0x7, v2;
	v3 =	vand.u32 $0xFFFFFF00, v3  }
0xab: {  	v2 =	vor.u32 v2, v3  }
0xac: {  	v2 =	vperm.xlane v2, v0;
	_ =	sdelay $0x1  }
0xad: {  	v2 =	vadd.s32 v1, v2;
	_ =	sdelay $0x4  }
0xae: {  	[tilespmem:s25], [sflag:$0x1] =	stream.indirect_vreg.gather [hbm4b:s2+s3], $0x80, v2, vm0, $0xb8;
	[tilespmem:$0x18400] =	vst v63  }
0xaf: {  	s23 =	simm.s32 $0xC00  }
0xb0: {  	[tilespmem:s23], [sflag:$0x1] =	stream.indirect_vreg.gather [hbm4b:s5+s3], $0x80, v2, vm0, $0xb8;
	[tilespmem:$0x18400] =	vst v63  }
0xb1: {  	s23 =	simm.s32 $0x1400  }
0xb2: {  	[tilespmem:s23], [sflag:$0x1] =	stream.indirect_vreg.gather [hbm4b:s6+s3], $0x80, v2, vm0, $0xb8;
	[tilespmem:$0x18400] =	vst v63  }
0xb3: {  	s23 =	simm.s32 $0x1C00  }
0xb4: {  	[tilespmem:s23], [sflag:$0x1] =	stream.indirect_vreg.gather [hbm4b:s7+s3], $0x80, v2, vm0, $0xb8;
	[tilespmem:$0x18400] =	vst v63  }
0xb5: {  	s23 =	simm.s32 $0x2400  }
0xb6: {  	[tilespmem:s23], [sflag:$0x1] =	stream.indirect_vreg.gather [hbm4b:s8+s3], $0x80, v2, vm0, $0xb8;
	[tilespmem:$0x18400] =	vst v63  }
0xb7: {  	s23 =	simm.s32 $0x2C00  }
0xb8: {  	[tilespmem:s23], [sflag:$0x1] =	stream.indirect_vreg.gather [hbm4b:s9+s3], $0x80, v2, vm0, $0xb8;
	[tilespmem:$0x18400] =	vst v63  }
0xb9: {  	s23 =	simm.s32 $0x3400  }
0xba: {  	[tilespmem:s23], [sflag:$0x1] =	stream.indirect_vreg.gather [hbm4b:s10+s3], $0x80, v2, vm0, $0xb8;
	[tilespmem:$0x18400] =	vst v63  }
0xbb: {  	s23 =	simm.s32 $0x3C00  }
0xbc: {  	[tilespmem:s23], [sflag:$0x1] =	stream.indirect_vreg.gather [hbm4b:s11+s3], $0x80, v2, vm0, $0xb8;
	[tilespmem:$0x18400] =	vst v63  }
0xbd: {  	s23 =	simm.s32 $0x4400  }
0xbe: {  	[tilespmem:s23], [sflag:$0x1] =	stream.indirect_vreg.gather [hbm4b:s12+s3], $0x80, v2, vm0, $0xb8;
	[tilespmem:$0x18400] =	vst v63  }
0xbf: {  	s23 =	simm.s32 $0x4C00  }
0xc0: {  	[tilespmem:s23], [sflag:$0x1] =	stream.indirect_vreg.gather [hbm4b:s13+s3], $0x80, v2, vm0, $0xb8;
	[tilespmem:$0x18400] =	vst v63  }
0xc1: {  	s23 =	simm.s32 $0x5400  }
0xc2: {  	[tilespmem:s23], [sflag:$0x1] =	stream.indirect_vreg.gather [hbm4b:s14+s3], $0x80, v2, vm0, $0xb8;
	[tilespmem:$0x18400] =	vst v63  }
0xc3: {  	s23 =	simm.s32 $0x5C00  }
0xc4: {  	[tilespmem:s23], [sflag:$0x1] =	stream.indirect_vreg.gather [hbm4b:s15+s3], $0x80, v2, vm0, $0xb8;
	[tilespmem:$0x18400] =	vst v63  }
0xc5: {  	s23 =	simm.s32 $0x6400  }
0xc6: {  	[tilespmem:s23], [sflag:$0x1] =	stream.indirect_vreg.gather [hbm4b:s16+s3], $0x80, v2, vm0, $0xb8;
	[tilespmem:$0x18400] =	vst v63  }
0xc7: {  	s23 =	simm.s32 $0x6C00  }
0xc8: {  	[tilespmem:s23], [sflag:$0x1] =	stream.indirect_vreg.gather [hbm4b:s17+s3], $0x80, v2, vm0, $0xb8;
	[tilespmem:$0x18400] =	vst v63  }
0xc9: {  	s23 =	simm.s32 $0x7400  }
0xca: {  	[tilespmem:s23], [sflag:$0x1] =	stream.indirect_vreg.gather [hbm4b:s18+s3], $0x80, v2, vm0, $0xb8;
	[tilespmem:$0x18400] =	vst v63  }
0xcb: {  	s23 =	simm.s32 $0x7C00  }
0xcc: {  	[tilespmem:s23], [sflag:$0x1] =	stream.indirect_vreg.gather [hbm4b:s19+s3], $0x80, v2, vm0, $0xb8;
	[tilespmem:$0x18400] =	vst v63  }
0xcd: {  	_ =	swait.ge [sflag:s24], $0x8000  }
0xce: {  	[sflag:s24] =	ssyncset.done $0x0  }
0xcf: {  	s23 =	sadd.s32 $0xFFFFF000, s22;
	[sflag:s24] =	ssyncadd.s32 $0xFFFF8000  }
0xd0: {  	[hbm4b:s23+s3] =	stream.linear.scatter [tilespmem:s29], [sflag:$0x5], $0x8000, $0x38;
	[tilespmem:$0x18400] =	vst v63  }
0xd1: {  	_ =	swait.ge [sflag:s20], $0x8000  }
0xd2: {  	[sflag:s20] =	ssyncset.done $0x0  }
0xd3: {  	[sflag:s20] =	ssyncadd.s32 $0xFFFF8000  }
0xd4: {  	v2 =	vld.msk [tilespmem:s30+$0x20], $0xff;
	_ =	sdelay $0x4  }
0xd5: {  	v3 =	vshll.u32 v2, $0x5  }
0xd6: {  	v2 =	vand.u32 $0x7, v2;
	v3 =	vand.u32 $0xFFFFFF00, v3  }
0xd7: {  	v2 =	vor.u32 v2, v3  }
0xd8: {  	v2 =	vperm.xlane v2, v0;
	_ =	sdelay $0x1  }
0xd9: {  	v2 =	vadd.s32 v1, v2;
	_ =	sdelay $0x4  }
0xda: {  	[tilespmem:s29], [sflag:$0x2] =	stream.indirect_vreg.gather [hbm4b:s2+s3], $0x80, v2, vm0, $0xb8;
	[tilespmem:$0x18400] =	vst v63  }
0xdb: {  	s23 =	simm.s32 $0x8C00  }
0xdc: {  	[tilespmem:s23], [sflag:$0x2] =	stream.indirect_vreg.gather [hbm4b:s5+s3], $0x80, v2, vm0, $0xb8;
	[tilespmem:$0x18400] =	vst v63  }
0xdd: {  	s23 =	simm.s32 $0x9400  }
0xde: {  	[tilespmem:s23], [sflag:$0x2] =	stream.indirect_vreg.gather [hbm4b:s6+s3], $0x80, v2, vm0, $0xb8;
	[tilespmem:$0x18400] =	vst v63  }
0xdf: {  	s23 =	simm.s32 $0x9C00  }
0xe0: {  	[tilespmem:s23], [sflag:$0x2] =	stream.indirect_vreg.gather [hbm4b:s7+s3], $0x80, v2, vm0, $0xb8;
	[tilespmem:$0x18400] =	vst v63  }
0xe1: {  	s23 =	simm.s32 $0xA400  }
0xe2: {  	[tilespmem:s23], [sflag:$0x2] =	stream.indirect_vreg.gather [hbm4b:s8+s3], $0x80, v2, vm0, $0xb8;
	[tilespmem:$0x18400] =	vst v63  }
0xe3: {  	s23 =	simm.s32 $0xAC00  }
0xe4: {  	[tilespmem:s23], [sflag:$0x2] =	stream.indirect_vreg.gather [hbm4b:s9+s3], $0x80, v2, vm0, $0xb8;
	[tilespmem:$0x18400] =	vst v63  }
0xe5: {  	s23 =	simm.s32 $0xB400  }
0xe6: {  	[tilespmem:s23], [sflag:$0x2] =	stream.indirect_vreg.gather [hbm4b:s10+s3], $0x80, v2, vm0, $0xb8;
	[tilespmem:$0x18400] =	vst v63  }
0xe7: {  	s23 =	simm.s32 $0xBC00  }
0xe8: {  	[tilespmem:s23], [sflag:$0x2] =	stream.indirect_vreg.gather [hbm4b:s11+s3], $0x80, v2, vm0, $0xb8;
	[tilespmem:$0x18400] =	vst v63  }
0xe9: {  	s23 =	simm.s32 $0xC400  }
0xea: {  	[tilespmem:s23], [sflag:$0x2] =	stream.indirect_vreg.gather [hbm4b:s12+s3], $0x80, v2, vm0, $0xb8;
	[tilespmem:$0x18400] =	vst v63  }
0xeb: {  	s23 =	simm.s32 $0xCC00  }
0xec: {  	[tilespmem:s23], [sflag:$0x2] =	stream.indirect_vreg.gather [hbm4b:s13+s3], $0x80, v2, vm0, $0xb8;
	[tilespmem:$0x18400] =	vst v63  }
0xed: {  	s23 =	simm.s32 $0xD400  }
0xee: {  	[tilespmem:s23], [sflag:$0x2] =	stream.indirect_vreg.gather [hbm4b:s14+s3], $0x80, v2, vm0, $0xb8;
	[tilespmem:$0x18400] =	vst v63  }
0xef: {  	s23 =	simm.s32 $0xDC00  }
0xf0: {  	[tilespmem:s23], [sflag:$0x2] =	stream.indirect_vreg.gather [hbm4b:s15+s3], $0x80, v2, vm0, $0xb8;
	[tilespmem:$0x18400] =	vst v63  }
0xf1: {  	s23 =	simm.s32 $0xE400  }
0xf2: {  	[tilespmem:s23], [sflag:$0x2] =	stream.indirect_vreg.gather [hbm4b:s16+s3], $0x80, v2, vm0, $0xb8;
	[tilespmem:$0x18400] =	vst v63  }
0xf3: {  	s23 =	simm.s32 $0xEC00  }
0xf4: {  	[tilespmem:s23], [sflag:$0x2] =	stream.indirect_vreg.gather [hbm4b:s17+s3], $0x80, v2, vm0, $0xb8;
	[tilespmem:$0x18400] =	vst v63  }
0xf5: {  	s23 =	simm.s32 $0xF400  }
0xf6: {  	[tilespmem:s23], [sflag:$0x2] =	stream.indirect_vreg.gather [hbm4b:s18+s3], $0x80, v2, vm0, $0xb8;
	[tilespmem:$0x18400] =	vst v63  }
0xf7: {  	p0 =	seq.s32 s28, $0xF60;
	s23 =	simm.s32 $0xFC00  }
0xf8: {  	[tilespmem:s23], [sflag:$0x2] =	stream.indirect_vreg.gather [hbm4b:s19+s3], $0x80, v2, vm0, $0xb8;
	[tilespmem:$0x18400] =	vst v63  }
.Ltmp2:
0xf9: {  	_ = 	snop;
	(pc) =	sbr.rel @p0 .LBB2_4-.Ltmp2, $4  }
0xfa: {  	_ =	swait.ge [sflag:s26], $0x8000  }
0xfb: {  	[sflag:s26] =	ssyncset.done $0x0  }
0xfc: {  	[sflag:s26] =	ssyncadd.s32 $0xFFFF8000  }
0xfd: {  	[hbm4b:s22+s3] =	stream.linear.scatter [tilespmem:s0], [sflag:$0x6], $0x8000, $0x38;
	[tilespmem:$0x18400] =	vst v63  }
0xfe: {  	_ =	swait.ge [sflag:s21], $0x8000  }
0xff: {  	[sflag:s21] =	ssyncset.done $0x0  }
0x100: {  	[sflag:s21] =	ssyncadd.s32 $0xFFFF8000  }
0x101: {  	v2 =	vld.msk [tilespmem:s30+$0x28], $0xff;
	_ =	sdelay $0x4  }
0x102: {  	v3 =	vshll.u32 v2, $0x5  }
0x103: {  	v2 =	vand.u32 $0x7, v2;
	v3 =	vand.u32 $0xFFFFFF00, v3  }
0x104: {  	v2 =	vor.u32 v2, v3  }
0x105: {  	v2 =	vperm.xlane v2, v0;
	_ =	sdelay $0x1  }
0x106: {  	v2 =	vadd.s32 v1, v2;
	_ =	sdelay $0x4  }
0x107: {  	[tilespmem:s0], [sflag:$0x3] =	stream.indirect_vreg.gather [hbm4b:s2+s3], $0x80, v2, vm0, $0xb8;
	[tilespmem:$0x18400] =	vst v63  }
0x108: {  	s23 =	simm.s32 $0x10C00  }
0x109: {  	[tilespmem:s23], [sflag:$0x3] =	stream.indirect_vreg.gather [hbm4b:s5+s3], $0x80, v2, vm0, $0xb8;
	[tilespmem:$0x18400] =	vst v63  }
0x10a: {  	s30 =	simm.s32 $0x11400  }
0x10b: {  	[tilespmem:s30], [sflag:$0x3] =	stream.indirect_vreg.gather [hbm4b:s6+s3], $0x80, v2, vm0, $0xb8;
	[tilespmem:$0x18400] =	vst v63  }
0x10c: {  	s30 =	simm.s32 $0x11C00  }
0x10d: {  	[tilespmem:s30], [sflag:$0x3] =	stream.indirect_vreg.gather [hbm4b:s7+s3], $0x80, v2, vm0, $0xb8;
	[tilespmem:$0x18400] =	vst v63  }
0x10e: {  	s30 =	simm.s32 $0x12400  }
0x10f: {  	[tilespmem:s30], [sflag:$0x3] =	stream.indirect_vreg.gather [hbm4b:s8+s3], $0x80, v2, vm0, $0xb8;
	[tilespmem:$0x18400] =	vst v63  }
0x110: {  	s30 =	simm.s32 $0x12C00  }
0x111: {  	[tilespmem:s30], [sflag:$0x3] =	stream.indirect_vreg.gather [hbm4b:s9+s3], $0x80, v2, vm0, $0xb8;
	[tilespmem:$0x18400] =	vst v63  }
0x112: {  	s30 =	simm.s32 $0x13400  }
0x113: {  	[tilespmem:s30], [sflag:$0x3] =	stream.indirect_vreg.gather [hbm4b:s10+s3], $0x80, v2, vm0, $0xb8;
	[tilespmem:$0x18400] =	vst v63  }
0x114: {  	s30 =	simm.s32 $0x13C00  }
0x115: {  	[tilespmem:s30], [sflag:$0x3] =	stream.indirect_vreg.gather [hbm4b:s11+s3], $0x80, v2, vm0, $0xb8;
	[tilespmem:$0x18400] =	vst v63  }
0x116: {  	s30 =	simm.s32 $0x14400  }
0x117: {  	[tilespmem:s30], [sflag:$0x3] =	stream.indirect_vreg.gather [hbm4b:s12+s3], $0x80, v2, vm0, $0xb8;
	[tilespmem:$0x18400] =	vst v63  }
0x118: {  	s30 =	simm.s32 $0x14C00  }
0x119: {  	[tilespmem:s30], [sflag:$0x3] =	stream.indirect_vreg.gather [hbm4b:s13+s3], $0x80, v2, vm0, $0xb8;
	[tilespmem:$0x18400] =	vst v63  }
0x11a: {  	s30 =	simm.s32 $0x15400  }
0x11b: {  	[tilespmem:s30], [sflag:$0x3] =	stream.indirect_vreg.gather [hbm4b:s14+s3], $0x80, v2, vm0, $0xb8;
	[tilespmem:$0x18400] =	vst v63  }
0x11c: {  	s30 =	simm.s32 $0x15C00  }
0x11d: {  	[tilespmem:s30], [sflag:$0x3] =	stream.indirect_vreg.gather [hbm4b:s15+s3], $0x80, v2, vm0, $0xb8;
	[tilespmem:$0x18400] =	vst v63  }
0x11e: {  	s30 =	simm.s32 $0x16400  }
0x11f: {  	[tilespmem:s30], [sflag:$0x3] =	stream.indirect_vreg.gather [hbm4b:s16+s3], $0x80, v2, vm0, $0xb8;
	[tilespmem:$0x18400] =	vst v63  }
0x120: {  	s30 =	simm.s32 $0x16C00  }
0x121: {  	[tilespmem:s30], [sflag:$0x3] =	stream.indirect_vreg.gather [hbm4b:s17+s3], $0x80, v2, vm0, $0xb8;
	[tilespmem:$0x18400] =	vst v63  }
.Ltmp3:
0x122: {  	_ = 	snop;
	(pc) =	sbr.rel .LBB2_2-.Ltmp3, $4  }
0x123: {  	s30 =	simm.s32 $0x17400  }
0x124: {  	[tilespmem:s30], [sflag:$0x3] =	stream.indirect_vreg.gather [hbm4b:s18+s3], $0x80, v2, vm0, $0xb8;
	[tilespmem:$0x18400] =	vst v63  }
0x125: {  	s22 =	sadd.s32 $0x3000, s22;
	s28 =	sadd.s32 $0x60, s28  }
0x126: {  	[tilespmem:s31], [sflag:$0x3] =	stream.indirect_vreg.gather [hbm4b:s19+s3], $0x80, v2, vm0, $0xb8;
	[tilespmem:$0x18400] =	vst v63  }
.LBB2_5:
0x127: {  	_ =	sfence.sel $0x180000  }
0x128: {  	[bflag:$0x0] =	sbarrier.arrive $0xFFFF  }
0x129: {  	_ =	strace $0x90000047  }
0x12a: {  	s0 =	stileid.u32;
	[bflag:$0x2] =	sbarrier.arrive $0xFFFF  }
0x12b: {  	p0 =	sne.s32 s0, $0x0;
	s0 =	rddreg [dreg:$0x3]  }
0x12c: {  	s0 =	sadd.s32 @!p0 $0x100000, s0  }
0x12d: {  	[sflag:s0] =	ssyncadd.tile.s32 @!p0 $0x1;
	_ =	shalt  }
.Lfunc_end2:
_tile_overlayer_lowered:
.L_overlay_start_2:
0x12e: {  	(tag) =	ssettag $0x2  }
0x12f: {  	s0 =	rddreg [dreg:$0x0];
	s2 =	stileid.u32  }
0x130: {  	s1 =	rddreg [dreg:$0x1];
	p0 =	sne.s32 s2, $0x0  }
0x131: {  	s3 =	rddreg [dreg:$0x2];
	[bflag:$0x3] =	sbarrier.arrive $0xFFFF;
	s2 =	simm.s32 @!p0 $0x1C07  }
0x132: {  	[timem:s3], [sflag:s2] =	dma.local @!p0 [hbm:s0], s1  }
0x133: {  	s0 =	simm.s32 @!p0 $0x7  }
0x134: {  	_ =	swait.ge @!p0 [sflag:s0], s1  }
0x135: {  	s1 =	ssub.s32 @!p0 $0x0, s1;
	[sflag:s0] =	ssyncset.done @!p0 $0x0  }
0x136: {  	[sflag:s0] =	ssyncadd.s32 @!p0 s1  }
0x137: {  	[bflag:$0x3] =	sbarrier.arrive $0xFFFF  }
0x138: {  	_ =	shalt  }

</sc_bundles>
